<compile_context>
chip_gen: v7x
topology: tpu7x:2x2x1
jax: 0.10.2.dev20260603
libtpu: 0.0.44.dev20260713+nightly
codegen_flags: <defaults>
</compile_context>

<pallas_src>
import jax
import jax.numpy as jnp
from jax import lax
from jax.experimental import pallas as pl
from jax.experimental.pallas import tpu as pltpu
from jax.experimental.pallas import tpu_sc as plsc

DIM = 128
NS = 32
BS = 4096
NSLOTS = 2 * BS
NWORKERS = 32
SLOTS_PER_W = NSLOTS // NWORKERS
CHUNK = 128
NE = NS * CHUNK
PAIRS_PER_W = SLOTS_PER_W // 2
L = 16


def _sc_body(emb, rel, bias, pairs, e2edges, e2ents, e2rel, out,
             eids_v, eidx_v, edgesT_v, n0i_v, n1i_v, n0T_v, n1T_v, relT_v,
             accE_v, accR_v, selfv_v, biasv_v, prod_v, outv_v, semI, semA):
    wid = lax.axis_index("s") * 2 + lax.axis_index("c")
    slot_base = wid * SLOTS_PER_W

    pltpu.sync_copy(pairs.at[pl.ds(slot_base, SLOTS_PER_W)], eids_v)
    pltpu.async_copy(bias.at[eids_v], biasv_v, semI).wait()

    for c in range(SLOTS_PER_W // CHUNK):
        def _bi_s(s, _):
            def _bi_g(g, _):
                ev = eids_v[pl.ds(c * CHUNK + g * L, L)]
                eidx_v[pl.ds(s * CHUNK + g * L, L)] = ev * NS + s
                return 0
            return lax.fori_loop(0, CHUNK // L, _bi_g, 0)
        lax.fori_loop(0, NS, _bi_s, 0)

        pltpu.async_copy(e2edges.at[eidx_v], edgesT_v, semI).wait()

        rel_cp = pltpu.async_copy(e2rel.at[edgesT_v], relT_v, semI)

        def _ni(i, _):
            v = edgesT_v[pl.ds(i * L, L)]
            n0i_v[pl.ds(i * L, L)] = 2 * v
            n1i_v[pl.ds(i * L, L)] = 2 * v + 1
            return 0
        lax.fori_loop(0, NE // L, _ni, 0)

        n0_cp = pltpu.async_copy(e2ents.at[n0i_v], n0T_v, semI)
        n1_cp = pltpu.async_copy(e2ents.at[n1i_v], n1T_v, semI)
        rel_cp.wait()
        n0_cp.wait()
        n1_cp.wait()

        initE = pltpu.async_copy(emb.at[n0T_v.at[pl.ds(0, CHUNK)]],
                                 accE_v, semI)
        initR = pltpu.async_copy(rel.at[relT_v.at[pl.ds(0, CHUNK)]],
                                 accR_v, semI)
        initE.wait()
        initR.wait()

        pltpu.async_copy(emb.at[eids_v.at[pl.ds(c * CHUNK, CHUNK)]],
                         selfv_v, semA)
        pltpu.async_copy(emb.at[n1T_v.at[pl.ds(0, CHUNK)]], accE_v, semA,
                         add=True)

        def _acc_s(s, _):
            sl = pl.ds(s * CHUNK, CHUNK)
            pltpu.async_copy(emb.at[n0T_v.at[sl]], accE_v, semA, add=True)
            pltpu.async_copy(emb.at[n1T_v.at[sl]], accE_v, semA, add=True)
            pltpu.async_copy(rel.at[relT_v.at[sl]], accR_v, semA, add=True)
            return 0
        lax.fori_loop(1, NS, _acc_s, 0)

        def _drain(i, _):
            pltpu.make_async_copy(emb.at[pl.ds(0, CHUNK)], accE_v,
                                  semA).wait()
            return 0
        lax.fori_loop(0, 2 + 3 * (NS - 1), _drain, 0)

        def _dot(p, _):
            j0 = 2 * p
            j1 = 2 * p + 1
            acc = jnp.zeros((L,), jnp.float32)
            for g in range(DIM // L):
                sl = pl.ds(g * L, L)
                v0 = (selfv_v[j0, sl] + accE_v[j0, sl] * (1.0 / 64.0)
                      + accR_v[j0, sl] * (1.0 / 32.0))
                v1 = (selfv_v[j1, sl] + accE_v[j1, sl] * (1.0 / 64.0)
                      + accR_v[j1, sl] * (1.0 / 32.0))
                acc = acc + v0 * v1
            prod_v[pl.ds(p * L, L)] = acc
            return 0
        lax.fori_loop(0, CHUNK // 2, _dot, 0)

        def _hsum(g, _):
            rows = g * L + lax.iota(jnp.int32, L)
            acc = jnp.zeros((L,), jnp.float32)
            for k in range(L):
                acc = acc + plsc.load_gather(prod_v, [rows * L + k])
            outv_v[pl.ds(c * (CHUNK // 2) + g * L, L)] = acc
            return 0
        lax.fori_loop(0, CHUNK // 2 // L, _hsum, 0)

    def _bias_g(g, _):
        lanes = g * L + lax.iota(jnp.int32, L)
        b16 = plsc.load_gather(biasv_v, [2 * lanes + 1])
        outv_v[pl.ds(g * L, L)] = outv_v[pl.ds(g * L, L)] + b16
        return 0
    lax.fori_loop(0, PAIRS_PER_W // L, _bias_g, 0)
    pltpu.sync_copy(outv_v, out.at[pl.ds(wid * PAIRS_PER_W, PAIRS_PER_W)])


@jax.jit
def _run(emb, rel, bias, pairs_flat, e2edges_flat, e2ents_flat, e2rel):
    mesh = plsc.VectorSubcoreMesh(core_axis_name="c", subcore_axis_name="s")
    return pl.kernel(
        _sc_body,
        out_type=jax.ShapeDtypeStruct((BS,), jnp.float32),
        mesh=mesh,
        compiler_params=pltpu.CompilerParams(needs_layout_passes=False),
        scratch_types=[
            pltpu.VMEM((SLOTS_PER_W,), jnp.int32),
            pltpu.VMEM((NE,), jnp.int32),
            pltpu.VMEM((NE,), jnp.int32),
            pltpu.VMEM((NE,), jnp.int32),
            pltpu.VMEM((NE,), jnp.int32),
            pltpu.VMEM((NE,), jnp.int32),
            pltpu.VMEM((NE,), jnp.int32),
            pltpu.VMEM((NE,), jnp.int32),
            pltpu.VMEM((CHUNK, DIM), jnp.float32),
            pltpu.VMEM((CHUNK, DIM), jnp.float32),
            pltpu.VMEM((CHUNK, DIM), jnp.float32),
            pltpu.VMEM((SLOTS_PER_W,), jnp.float32),
            pltpu.VMEM((CHUNK // 2 * L,), jnp.float32),
            pltpu.VMEM((PAIRS_PER_W,), jnp.float32),
            pltpu.SemaphoreType.DMA,
            pltpu.SemaphoreType.DMA,
        ],
    )(emb, rel, bias, pairs_flat, e2edges_flat, e2ents_flat, e2rel)


def kernel(entity_emb, relation_emb, item_bias, entity_pairs, entity2edges,
           edge2entities, edge2relation):
    pairs_flat = jnp.asarray(entity_pairs, jnp.int32).reshape(NSLOTS)
    return _run(entity_emb, relation_emb, item_bias, pairs_flat,
                entity2edges.reshape(-1), edge2entities.reshape(-1),
                edge2relation)

# --- scband reference (transcript-rebuilt; emitter-appended) ---
"""Pipeline reference for scband-trans-match-17566416241101 (READ-ONLY COPY).

The authoritative reference and input builder live on the scoring server;
editing this copy changes nothing except your own understanding.
"""

import jax, jax.numpy as jnp
import numpy as np

AGG_PARAM = 1.0
N_ENTITIES = 100000
N_EDGES = 1600000
N_RELATIONS = 10000
DIM = 128
BS = 4096
NS = 32


def setup_inputs(seed: int = 0) -> dict:
    key = jax.random.key(seed)
    ks = jax.random.split(key, 8)
    entity_pairs = jax.random.randint(ks[0], (BS, 2), 0, N_ENTITIES, dtype=jnp.int64 if jax.config.jax_enable_x64 else jnp.int32)
    entity2edges = jax.random.randint(ks[1], (N_ENTITIES, NS), 0, N_EDGES, dtype=jnp.int32)
    edge2entities = jax.random.randint(ks[2], (N_EDGES, 2), 0, N_ENTITIES, dtype=jnp.int32)
    edge2relation = jax.random.randint(ks[3], (N_EDGES,), 0, N_RELATIONS, dtype=jnp.int32)
    entity_emb = jax.random.normal(ks[4], (N_ENTITIES, DIM), dtype=jnp.float32) / jnp.sqrt(DIM)
    relation_emb = jax.random.normal(ks[5], (N_RELATIONS, DIM), dtype=jnp.float32) / jnp.sqrt(DIM)
    item_bias = jnp.zeros((N_ENTITIES,), dtype=jnp.float32)
    return {
        'entity_emb': entity_emb,
        'relation_emb': relation_emb,
        'item_bias': item_bias,
        'entity_pairs': entity_pairs,
        'entity2edges': entity2edges,
        'edge2entities': edge2entities,
        'edge2relation': edge2relation,
    }


def reference(entity_emb, relation_emb, item_bias, entity_pairs, entity2edges, edge2entities, edge2relation):
    # --- _get_entity_neighbors_and_masks (one context hop) ---
    edge_ids = jnp.take(entity2edges, entity_pairs, axis=0)            # [bs, 2, ns]
    nbr_pair = jnp.take(edge2entities, edge_ids, axis=0)               # [bs, 2, ns, 2]
    nbr_ent_vec = jnp.take(entity_emb, nbr_pair, axis=0)               # [bs, 2, ns, 2, d]
    nbr_ent_vec = jnp.mean(nbr_ent_vec, axis=-2)                       # [bs, 2, ns, d]
    rel_ids = jnp.take(edge2relation, edge_ids, axis=0)                # [bs, 2, ns]
    nbr_edge_vec = jnp.take(relation_emb, rel_ids, axis=0)             # [bs, 2, ns, d]
    # --- Aggregator.forward: masked mean of neighbor edge vectors ---
    masks = jnp.ones(edge_ids.shape + (1,), dtype=jnp.float32)         # [bs, 2, ns, 1]
    nei_nums = jnp.sum(masks, axis=-2)                                 # [bs, 2, 1]
    nei_nums = jnp.where(nei_nums == 0, 1.0, nei_nums)
    edge_agg = jnp.sum(nbr_edge_vec * masks, axis=-2) / nei_nums       # [bs, 2, d]
    # --- MeanAggregator._call (self_included=True) ---
    ent_agg = jnp.mean(nbr_ent_vec, axis=-2)                           # [bs, 2, d]
    neighbor_vectors = ent_agg + AGG_PARAM * edge_agg                  # [bs, 2, d]
    self_vectors = jnp.take(entity_emb, entity_pairs, axis=0)          # [bs, 2, d]
    self_vectors = self_vectors + AGG_PARAM * neighbor_vectors         # [bs, 2, d]
    # --- inner-product score with item bias (score_type='inner') ---
    score = jnp.sum(self_vectors[:, 0, :] * self_vectors[:, 1, :], axis=-1)
    score = score + jnp.take(item_bias, entity_pairs[:, 1], axis=0)    # [bs]
    return score


if False:  # reference __main__ guard neutralized (emitter)
    out = reference(**setup_inputs())
    print(out.shape, out.dtype)

if __name__ == "__main__":
    import jax
    _d = setup_inputs()
    print(jax.jit(kernel)(*tuple(_d.values())))

</pallas_src>

<mosaic_0001>
#map = affine_map<(d0, d1) -> (0, 0)>
#map1 = affine_map<(d0, d1) -> (0)>
module attributes {stable_mosaic.version = 14 : i64} {
  func.func @_sc_body(%arg0: i32, %arg1: i32, %arg2: memref<100000x128xf32, #tpu.memory_space<hbm>>, %arg3: memref<10000x128xf32, #tpu.memory_space<hbm>>, %arg4: memref<100000xf32, #tpu.memory_space<hbm>>, %arg5: memref<8192xi32, #tpu.memory_space<hbm>>, %arg6: memref<3200000xi32, #tpu.memory_space<hbm>>, %arg7: memref<3200000xi32, #tpu.memory_space<hbm>>, %arg8: memref<1600000xi32, #tpu.memory_space<hbm>>, %arg9: memref<4096xf32, #tpu.memory_space<hbm>>, %arg10: memref<256xi32, #tpu.memory_space<vmem>>, %arg11: memref<4096xi32, #tpu.memory_space<vmem>>, %arg12: memref<4096xi32, #tpu.memory_space<vmem>>, %arg13: memref<4096xi32, #tpu.memory_space<vmem>>, %arg14: memref<4096xi32, #tpu.memory_space<vmem>>, %arg15: memref<4096xi32, #tpu.memory_space<vmem>>, %arg16: memref<4096xi32, #tpu.memory_space<vmem>>, %arg17: memref<4096xi32, #tpu.memory_space<vmem>>, %arg18: memref<128x128xf32, #tpu.memory_space<vmem>>, %arg19: memref<128x128xf32, #tpu.memory_space<vmem>>, %arg20: memref<128x128xf32, #tpu.memory_space<vmem>>, %arg21: memref<256xf32, #tpu.memory_space<vmem>>, %arg22: memref<1024xf32, #tpu.memory_space<vmem>>, %arg23: memref<128xf32, #tpu.memory_space<vmem>>, %arg24: memref<!tpu.dma_semaphore, #tpu.memory_space<semaphore_mem>>, %arg25: memref<!tpu.dma_semaphore, #tpu.memory_space<semaphore_mem>>) attributes {dimension_semantics = [#tpu.dimension_semantics<core_parallel>, #tpu.dimension_semantics<subcore_parallel>], iteration_bounds = array<i64: 2, 16>, scalar_prefetch = 0 : i64, scratch_operands = 16 : i64, tpu.core_type = #tpu.core_type<sc_vector_subcore>, window_params = [{transform_indices = #map}, {transform_indices = #map}, {transform_indices = #map1}, {transform_indices = #map1}, {transform_indices = #map1}, {transform_indices = #map1}, {transform_indices = #map1}, {transform_indices = #map1}]} {
    %mul3A = arith.constant 2 : i32
    %mul3A_0 = arith.muli %arg1, %mul3A : i32
    %add3A = arith.addi %mul3A_0, %arg0 : i32
    %mul3A_1 = arith.constant 256 : i32
    %mul3A_2 = arith.muli %add3A, %mul3A_1 : i32
    "tpu.region"() ({
      %run_scoped3A = tpu.sem_alloc : memref<!tpu.dma_semaphore, #tpu.memory_space<semaphore_mem>>
      %dma_start3A_189 = tpu.memref_slice %arg5[%mul3A_2] : memref<8192xi32, #tpu.memory_space<hbm>> -> memref<256xi32, #tpu.memory_space<hbm>>
      %dma_start3A_190 = tpu.memref_slice %arg5[%mul3A_2] : memref<8192xi32, #tpu.memory_space<hbm>> -> memref<256xi32, #tpu.memory_space<hbm>>
      tpu.enqueue_dma source(%dma_start3A_190 : memref<256xi32, #tpu.memory_space<hbm>>) target(%arg10 : memref<256xi32, #tpu.memory_space<vmem>>) target_semaphore(%run_scoped3A : memref<!tpu.dma_semaphore, #tpu.memory_space<semaphore_mem>>)
      %dma_wait3A_191 = tpu.memref_slice %arg5[%mul3A_2] : memref<8192xi32, #tpu.memory_space<hbm>> -> memref<256xi32, #tpu.memory_space<hbm>>
      %dma_wait3A_192 = tpu.memref_slice %arg5[%mul3A_2] : memref<8192xi32, #tpu.memory_space<hbm>> -> memref<256xi32, #tpu.memory_space<hbm>>
      tpu.wait_dma2 semaphore(%run_scoped3A : memref<!tpu.dma_semaphore, #tpu.memory_space<semaphore_mem>>) src(%dma_wait3A_192 : memref<256xi32, #tpu.memory_space<hbm>>) dst(%arg10 : memref<256xi32, #tpu.memory_space<vmem>>)
      tpu.yield
    }) : () -> ()
    %dma_start3A = arith.constant 0 : i32
    %dma_start3A_3 = tpu.memref_slice %arg4[%dma_start3A] : memref<100000xf32, #tpu.memory_space<hbm>> -> memref<100000xf32, #tpu.memory_space<hbm>>
    tpu.enqueue_indirect_dma source(%dma_start3A_3 : memref<100000xf32, #tpu.memory_space<hbm>>) target(%arg21 : memref<256xf32, #tpu.memory_space<vmem>>) offsets(%arg10 : memref<256xi32, #tpu.memory_space<vmem>>) semaphore(%arg24 : memref<!tpu.dma_semaphore, #tpu.memory_space<semaphore_mem>>)
    %dma_wait3A = arith.constant 0 : i32
    %dma_wait3A_4 = tpu.memref_slice %arg4[%dma_wait3A] : memref<100000xf32, #tpu.memory_space<hbm>> -> memref<100000xf32, #tpu.memory_space<hbm>>
    tpu.wait_indirect_dma semaphore(%arg24 : memref<!tpu.dma_semaphore, #tpu.memory_space<semaphore_mem>>) src(%dma_wait3A_4 : memref<100000xf32, #tpu.memory_space<hbm>>) dst(%arg21 : memref<256xf32, #tpu.memory_space<vmem>>)
    %scan3A = arith.constant 0 : i32
    %scan3A_5 = arith.constant 0 : i32
    %scan3A_6 = arith.constant 32 : i32
    %scan3A_7 = arith.addi %scan3A_5, %scan3A_6 : i32
    %scan3A_8 = arith.constant 1 : i32
    %scan3A_9 = scf.for %scan3A_189 = %scan3A_5 to %scan3A_7 step %scan3A_8 iter_args(%scan3A_190 = %scan3A) -> (i32)  : i32 {
      %scan3A_191 = arith.constant 0 : i32
      %scan3A_192 = arith.constant 0 : i32
      %scan3A_193 = arith.constant 8 : i32
      %scan3A_194 = arith.addi %scan3A_192, %scan3A_193 : i32
      %scan3A_195 = arith.constant 1 : i32
      %scan3A_196 = scf.for %scan3A_198 = %scan3A_192 to %scan3A_194 step %scan3A_195 iter_args(%scan3A_199 = %scan3A_191) -> (i32)  : i32 {
        %mul3A_200 = arith.constant 16 : i32
        %mul3A_201 = arith.muli %scan3A_198, %mul3A_200 : i32
        %add3A_202 = arith.constant 0 : i32
        %add3A_203 = arith.addi %add3A_202, %mul3A_201 : i32
        %get3A = arith.index_cast %add3A_203 : i32 to index
        %get3A_204 = tpu.vector_load %arg10[%get3A] {strides = array<i32>} : memref<256xi32, #tpu.memory_space<vmem>>, vector<16xi32>,
        %mul3A_205 = arith.constant 32 : i32
        %mul3A_206 = vector.broadcast %mul3A_205 : i32 to vector<16xi32>
        %mul3A_207 = arith.muli %get3A_204, %mul3A_206 : vector<16xi32>
        %add3A_208 = vector.broadcast %scan3A_189 : i32 to vector<16xi32>
        %add3A_209 = arith.addi %mul3A_207, %add3A_208 : vector<16xi32>
        %mul3A_210 = arith.constant 128 : i32
        %mul3A_211 = arith.muli %scan3A_189, %mul3A_210 : i32
        %mul3A_212 = arith.constant 16 : i32
        %mul3A_213 = arith.muli %scan3A_198, %mul3A_212 : i32
        %add3A_214 = arith.addi %mul3A_211, %mul3A_213 : i32
        %swap3A = arith.index_cast %add3A_214 : i32 to index
        %swap3A_215 = tpu.vector_load %arg11[%swap3A] {strides = array<i32>} : memref<4096xi32, #tpu.memory_space<vmem>>, vector<16xi32>,
        tpu.vector_store %arg11[%swap3A], %add3A_209 {strides = array<i32>} : memref<4096xi32, #tpu.memory_space<vmem>>, vector<16xi32>,
        %scan3A_216 = arith.constant 0 : i32
        scf.yield %scan3A_216 : i32
      }
      %scan3A_197 = arith.constant 8 : i32
      scf.yield %scan3A_196 : i32
    }
    %scan3A_10 = arith.constant 32 : i32
    %dma_start3A_11 = arith.constant 0 : i32
    %dma_start3A_12 = tpu.memref_slice %arg6[%dma_start3A_11] : memref<3200000xi32, #tpu.memory_space<hbm>> -> memref<3200000xi32, #tpu.memory_space<hbm>>
    tpu.enqueue_indirect_dma source(%dma_start3A_12 : memref<3200000xi32, #tpu.memory_space<hbm>>) target(%arg12 : memref<4096xi32, #tpu.memory_space<vmem>>) offsets(%arg11 : memref<4096xi32, #tpu.memory_space<vmem>>) semaphore(%arg24 : memref<!tpu.dma_semaphore, #tpu.memory_space<semaphore_mem>>)
    %dma_wait3A_13 = arith.constant 0 : i32
    %dma_wait3A_14 = tpu.memref_slice %arg6[%dma_wait3A_13] : memref<3200000xi32, #tpu.memory_space<hbm>> -> memref<3200000xi32, #tpu.memory_space<hbm>>
    tpu.wait_indirect_dma semaphore(%arg24 : memref<!tpu.dma_semaphore, #tpu.memory_space<semaphore_mem>>) src(%dma_wait3A_14 : memref<3200000xi32, #tpu.memory_space<hbm>>) dst(%arg12 : memref<4096xi32, #tpu.memory_space<vmem>>)
    %dma_start3A_15 = arith.constant 0 : i32
    %dma_start3A_16 = tpu.memref_slice %arg8[%dma_start3A_15] : memref<1600000xi32, #tpu.memory_space<hbm>> -> memref<1600000xi32, #tpu.memory_space<hbm>>
    tpu.enqueue_indirect_dma source(%dma_start3A_16 : memref<1600000xi32, #tpu.memory_space<hbm>>) target(%arg17 : memref<4096xi32, #tpu.memory_space<vmem>>) offsets(%arg12 : memref<4096xi32, #tpu.memory_space<vmem>>) semaphore(%arg24 : memref<!tpu.dma_semaphore, #tpu.memory_space<semaphore_mem>>)
    %scan3A_17 = arith.constant 0 : i32
    %scan3A_18 = arith.constant 0 : i32
    %scan3A_19 = arith.constant 256 : i32
    %scan3A_20 = arith.addi %scan3A_18, %scan3A_19 : i32
    %scan3A_21 = arith.constant 1 : i32
    %scan3A_22 = scf.for %scan3A_189 = %scan3A_18 to %scan3A_20 step %scan3A_21 iter_args(%scan3A_190 = %scan3A_17) -> (i32)  : i32 {
      %mul3A_191 = arith.constant 16 : i32
      %mul3A_192 = arith.muli %scan3A_189, %mul3A_191 : i32
      %get3A = arith.index_cast %mul3A_192 : i32 to index
      %get3A_193 = tpu.vector_load %arg12[%get3A] {strides = array<i32>} : memref<4096xi32, #tpu.memory_space<vmem>>, vector<16xi32>,
      %mul3A_194 = arith.constant 2 : i32
      %mul3A_195 = vector.broadcast %mul3A_194 : i32 to vector<16xi32>
      %mul3A_196 = arith.muli %mul3A_195, %get3A_193 : vector<16xi32>
      %mul3A_197 = arith.constant 16 : i32
      %mul3A_198 = arith.muli %scan3A_189, %mul3A_197 : i32
      %swap3A = arith.index_cast %mul3A_198 : i32 to index
      %swap3A_199 = tpu.vector_load %arg13[%swap3A] {strides = array<i32>} : memref<4096xi32, #tpu.memory_space<vmem>>, vector<16xi32>,
      tpu.vector_store %arg13[%swap3A], %mul3A_196 {strides = array<i32>} : memref<4096xi32, #tpu.memory_space<vmem>>, vector<16xi32>,
      %mul3A_200 = arith.constant 2 : i32
      %mul3A_201 = vector.broadcast %mul3A_200 : i32 to vector<16xi32>
      %mul3A_202 = arith.muli %mul3A_201, %get3A_193 : vector<16xi32>
      %add3A_203 = arith.constant 1 : i32
      %add3A_204 = vector.broadcast %add3A_203 : i32 to vector<16xi32>
      %add3A_205 = arith.addi %mul3A_202, %add3A_204 : vector<16xi32>
      %mul3A_206 = arith.constant 16 : i32
      %mul3A_207 = arith.muli %scan3A_189, %mul3A_206 : i32
      %swap3A_208 = arith.index_cast %mul3A_207 : i32 to index
      %swap3A_209 = tpu.vector_load %arg14[%swap3A_208] {strides = array<i32>} : memref<4096xi32, #tpu.memory_space<vmem>>, vector<16xi32>,
      tpu.vector_store %arg14[%swap3A_208], %add3A_205 {strides = array<i32>} : memref<4096xi32, #tpu.memory_space<vmem>>, vector<16xi32>,
      %scan3A_210 = arith.constant 0 : i32
      scf.yield %scan3A_210 : i32
    }
    %scan3A_23 = arith.constant 256 : i32
    %dma_start3A_24 = arith.constant 0 : i32
    %dma_start3A_25 = tpu.memref_slice %arg7[%dma_start3A_24] : memref<3200000xi32, #tpu.memory_space<hbm>> -> memref<3200000xi32, #tpu.memory_space<hbm>>
    tpu.enqueue_indirect_dma source(%dma_start3A_25 : memref<3200000xi32, #tpu.memory_space<hbm>>) target(%arg15 : memref<4096xi32, #tpu.memory_space<vmem>>) offsets(%arg13 : memref<4096xi32, #tpu.memory_space<vmem>>) semaphore(%arg24 : memref<!tpu.dma_semaphore, #tpu.memory_space<semaphore_mem>>)
    %dma_start3A_26 = arith.constant 0 : i32
    %dma_start3A_27 = tpu.memref_slice %arg7[%dma_start3A_26] : memref<3200000xi32, #tpu.memory_space<hbm>> -> memref<3200000xi32, #tpu.memory_space<hbm>>
    tpu.enqueue_indirect_dma source(%dma_start3A_27 : memref<3200000xi32, #tpu.memory_space<hbm>>) target(%arg16 : memref<4096xi32, #tpu.memory_space<vmem>>) offsets(%arg14 : memref<4096xi32, #tpu.memory_space<vmem>>) semaphore(%arg24 : memref<!tpu.dma_semaphore, #tpu.memory_space<semaphore_mem>>)
    %dma_wait3A_28 = arith.constant 0 : i32
    %dma_wait3A_29 = tpu.memref_slice %arg8[%dma_wait3A_28] : memref<1600000xi32, #tpu.memory_space<hbm>> -> memref<1600000xi32, #tpu.memory_space<hbm>>
    tpu.wait_indirect_dma semaphore(%arg24 : memref<!tpu.dma_semaphore, #tpu.memory_space<semaphore_mem>>) src(%dma_wait3A_29 : memref<1600000xi32, #tpu.memory_space<hbm>>) dst(%arg17 : memref<4096xi32, #tpu.memory_space<vmem>>)
    %dma_wait3A_30 = arith.constant 0 : i32
    %dma_wait3A_31 = tpu.memref_slice %arg7[%dma_wait3A_30] : memref<3200000xi32, #tpu.memory_space<hbm>> -> memref<3200000xi32, #tpu.memory_space<hbm>>
    tpu.wait_indirect_dma semaphore(%arg24 : memref<!tpu.dma_semaphore, #tpu.memory_space<semaphore_mem>>) src(%dma_wait3A_31 : memref<3200000xi32, #tpu.memory_space<hbm>>) dst(%arg15 : memref<4096xi32, #tpu.memory_space<vmem>>)
    %dma_wait3A_32 = arith.constant 0 : i32
    %dma_wait3A_33 = tpu.memref_slice %arg7[%dma_wait3A_32] : memref<3200000xi32, #tpu.memory_space<hbm>> -> memref<3200000xi32, #tpu.memory_space<hbm>>
    tpu.wait_indirect_dma semaphore(%arg24 : memref<!tpu.dma_semaphore, #tpu.memory_space<semaphore_mem>>) src(%dma_wait3A_33 : memref<3200000xi32, #tpu.memory_space<hbm>>) dst(%arg16 : memref<4096xi32, #tpu.memory_space<vmem>>)
    %dma_start3A_34 = arith.constant 0 : i32
    %dma_start3A_35 = tpu.memref_slice %arg15[%dma_start3A_34] : memref<4096xi32, #tpu.memory_space<vmem>> -> memref<128xi32, #tpu.memory_space<vmem>>
    %dma_start3A_36 = arith.constant 0 : i32
    %dma_start3A_37 = arith.constant 0 : i32
    %dma_start3A_38 = tpu.memref_slice %arg2[%dma_start3A_36, %dma_start3A_37] : memref<100000x128xf32, #tpu.memory_space<hbm>> -> memref<100000x128xf32, #tpu.memory_space<hbm>>
    tpu.enqueue_indirect_dma source(%dma_start3A_38 : memref<100000x128xf32, #tpu.memory_space<hbm>>) target(%arg18 : memref<128x128xf32, #tpu.memory_space<vmem>>) offsets(%dma_start3A_35 : memref<128xi32, #tpu.memory_space<vmem>>) semaphore(%arg24 : memref<!tpu.dma_semaphore, #tpu.memory_space<semaphore_mem>>)
    %dma_start3A_39 = arith.constant 0 : i32
    %dma_start3A_40 = tpu.memref_slice %arg17[%dma_start3A_39] : memref<4096xi32, #tpu.memory_space<vmem>> -> memref<128xi32, #tpu.memory_space<vmem>>
    %dma_start3A_41 = arith.constant 0 : i32
    %dma_start3A_42 = arith.constant 0 : i32
    %dma_start3A_43 = tpu.memref_slice %arg3[%dma_start3A_41, %dma_start3A_42] : memref<10000x128xf32, #tpu.memory_space<hbm>> -> memref<10000x128xf32, #tpu.memory_space<hbm>>
    tpu.enqueue_indirect_dma source(%dma_start3A_43 : memref<10000x128xf32, #tpu.memory_space<hbm>>) target(%arg19 : memref<128x128xf32, #tpu.memory_space<vmem>>) offsets(%dma_start3A_40 : memref<128xi32, #tpu.memory_space<vmem>>) semaphore(%arg24 : memref<!tpu.dma_semaphore, #tpu.memory_space<semaphore_mem>>)
    %dma_wait3A_44 = arith.constant 0 : i32
    %dma_wait3A_45 = tpu.memref_slice %arg15[%dma_wait3A_44] : memref<4096xi32, #tpu.memory_space<vmem>> -> memref<128xi32, #tpu.memory_space<vmem>>
    %dma_wait3A_46 = arith.constant 0 : i32
    %dma_wait3A_47 = arith.constant 0 : i32
    %dma_wait3A_48 = tpu.memref_slice %arg2[%dma_wait3A_46, %dma_wait3A_47] : memref<100000x128xf32, #tpu.memory_space<hbm>> -> memref<100000x128xf32, #tpu.memory_space<hbm>>
    tpu.wait_indirect_dma semaphore(%arg24 : memref<!tpu.dma_semaphore, #tpu.memory_space<semaphore_mem>>) src(%dma_wait3A_48 : memref<100000x128xf32, #tpu.memory_space<hbm>>) dst(%arg18 : memref<128x128xf32, #tpu.memory_space<vmem>>)
    %dma_wait3A_49 = arith.constant 0 : i32
    %dma_wait3A_50 = tpu.memref_slice %arg17[%dma_wait3A_49] : memref<4096xi32, #tpu.memory_space<vmem>> -> memref<128xi32, #tpu.memory_space<vmem>>
    %dma_wait3A_51 = arith.constant 0 : i32
    %dma_wait3A_52 = arith.constant 0 : i32
    %dma_wait3A_53 = tpu.memref_slice %arg3[%dma_wait3A_51, %dma_wait3A_52] : memref<10000x128xf32, #tpu.memory_space<hbm>> -> memref<10000x128xf32, #tpu.memory_space<hbm>>
    tpu.wait_indirect_dma semaphore(%arg24 : memref<!tpu.dma_semaphore, #tpu.memory_space<semaphore_mem>>) src(%dma_wait3A_53 : memref<10000x128xf32, #tpu.memory_space<hbm>>) dst(%arg19 : memref<128x128xf32, #tpu.memory_space<vmem>>)
    %dma_start3A_54 = arith.constant 0 : i32
    %dma_start3A_55 = tpu.memref_slice %arg10[%dma_start3A_54] : memref<256xi32, #tpu.memory_space<vmem>> -> memref<128xi32, #tpu.memory_space<vmem>>
    %dma_start3A_56 = arith.constant 0 : i32
    %dma_start3A_57 = arith.constant 0 : i32
    %dma_start3A_58 = tpu.memref_slice %arg2[%dma_start3A_56, %dma_start3A_57] : memref<100000x128xf32, #tpu.memory_space<hbm>> -> memref<100000x128xf32, #tpu.memory_space<hbm>>
    tpu.enqueue_indirect_dma source(%dma_start3A_58 : memref<100000x128xf32, #tpu.memory_space<hbm>>) target(%arg20 : memref<128x128xf32, #tpu.memory_space<vmem>>) offsets(%dma_start3A_55 : memref<128xi32, #tpu.memory_space<vmem>>) semaphore(%arg25 : memref<!tpu.dma_semaphore, #tpu.memory_space<semaphore_mem>>)
    %dma_start3A_59 = arith.constant 0 : i32
    %dma_start3A_60 = tpu.memref_slice %arg16[%dma_start3A_59] : memref<4096xi32, #tpu.memory_space<vmem>> -> memref<128xi32, #tpu.memory_space<vmem>>
    %dma_start3A_61 = arith.constant 0 : i32
    %dma_start3A_62 = arith.constant 0 : i32
    %dma_start3A_63 = tpu.memref_slice %arg2[%dma_start3A_61, %dma_start3A_62] : memref<100000x128xf32, #tpu.memory_space<hbm>> -> memref<100000x128xf32, #tpu.memory_space<hbm>>
    tpu.enqueue_indirect_dma source(%dma_start3A_63 : memref<100000x128xf32, #tpu.memory_space<hbm>>) target(%arg18 : memref<128x128xf32, #tpu.memory_space<vmem>>) offsets(%dma_start3A_60 : memref<128xi32, #tpu.memory_space<vmem>>) semaphore(%arg25 : memref<!tpu.dma_semaphore, #tpu.memory_space<semaphore_mem>>) {add = true}
    %scan3A_64 = arith.constant 0 : i32
    %scan3A_65 = arith.constant 1 : i32
    %scan3A_66 = arith.constant 31 : i32
    %scan3A_67 = arith.addi %scan3A_65, %scan3A_66 : i32
    %scan3A_68 = arith.constant 1 : i32
    %scan3A_69 = scf.for %scan3A_189 = %scan3A_65 to %scan3A_67 step %scan3A_68 iter_args(%scan3A_190 = %scan3A_64) -> (i32)  : i32 {
      %mul3A_191 = arith.constant 128 : i32
      %mul3A_192 = arith.muli %scan3A_189, %mul3A_191 : i32
      %dma_start3A_193 = tpu.memref_slice %arg15[%mul3A_192] : memref<4096xi32, #tpu.memory_space<vmem>> -> memref<128xi32, #tpu.memory_space<vmem>>
      %dma_start3A_194 = arith.constant 0 : i32
      %dma_start3A_195 = arith.constant 0 : i32
      %dma_start3A_196 = tpu.memref_slice %arg2[%dma_start3A_194, %dma_start3A_195] : memref<100000x128xf32, #tpu.memory_space<hbm>> -> memref<100000x128xf32, #tpu.memory_space<hbm>>
      tpu.enqueue_indirect_dma source(%dma_start3A_196 : memref<100000x128xf32, #tpu.memory_space<hbm>>) target(%arg18 : memref<128x128xf32, #tpu.memory_space<vmem>>) offsets(%dma_start3A_193 : memref<128xi32, #tpu.memory_space<vmem>>) semaphore(%arg25 : memref<!tpu.dma_semaphore, #tpu.memory_space<semaphore_mem>>) {add = true}
      %dma_start3A_197 = tpu.memref_slice %arg16[%mul3A_192] : memref<4096xi32, #tpu.memory_space<vmem>> -> memref<128xi32, #tpu.memory_space<vmem>>
      %dma_start3A_198 = arith.constant 0 : i32
      %dma_start3A_199 = arith.constant 0 : i32
      %dma_start3A_200 = tpu.memref_slice %arg2[%dma_start3A_198, %dma_start3A_199] : memref<100000x128xf32, #tpu.memory_space<hbm>> -> memref<100000x128xf32, #tpu.memory_space<hbm>>
      tpu.enqueue_indirect_dma source(%dma_start3A_200 : memref<100000x128xf32, #tpu.memory_space<hbm>>) target(%arg18 : memref<128x128xf32, #tpu.memory_space<vmem>>) offsets(%dma_start3A_197 : memref<128xi32, #tpu.memory_space<vmem>>) semaphore(%arg25 : memref<!tpu.dma_semaphore, #tpu.memory_space<semaphore_mem>>) {add = true}
      %dma_start3A_201 = tpu.memref_slice %arg17[%mul3A_192] : memref<4096xi32, #tpu.memory_space<vmem>> -> memref<128xi32, #tpu.memory_space<vmem>>
      %dma_start3A_202 = arith.constant 0 : i32
      %dma_start3A_203 = arith.constant 0 : i32
      %dma_start3A_204 = tpu.memref_slice %arg3[%dma_start3A_202, %dma_start3A_203] : memref<10000x128xf32, #tpu.memory_space<hbm>> -> memref<10000x128xf32, #tpu.memory_space<hbm>>
      tpu.enqueue_indirect_dma source(%dma_start3A_204 : memref<10000x128xf32, #tpu.memory_space<hbm>>) target(%arg19 : memref<128x128xf32, #tpu.memory_space<vmem>>) offsets(%dma_start3A_201 : memref<128xi32, #tpu.memory_space<vmem>>) semaphore(%arg25 : memref<!tpu.dma_semaphore, #tpu.memory_space<semaphore_mem>>) {add = true}
      %scan3A_205 = arith.constant 0 : i32
      scf.yield %scan3A_205 : i32
    }
    %scan3A_70 = arith.constant 31 : i32
    %scan3A_71 = arith.constant 0 : i32
    %scan3A_72 = arith.constant 0 : i32
    %scan3A_73 = arith.constant 95 : i32
    %scan3A_74 = arith.addi %scan3A_72, %scan3A_73 : i32
    %scan3A_75 = arith.constant 1 : i32
    %scan3A_76 = scf.for %scan3A_189 = %scan3A_72 to %scan3A_74 step %scan3A_75 iter_args(%scan3A_190 = %scan3A_71) -> (i32)  : i32 {
      %dma_wait3A_191 = arith.constant 0 : i32
      %dma_wait3A_192 = arith.constant 0 : i32
      %dma_wait3A_193 = tpu.memref_slice %arg2[%dma_wait3A_191, %dma_wait3A_192] : memref<100000x128xf32, #tpu.memory_space<hbm>> -> memref<128x128xf32, #tpu.memory_space<hbm>>
      %dma_wait3A_194 = arith.constant 0 : i32
      %dma_wait3A_195 = arith.constant 0 : i32
      %dma_wait3A_196 = tpu.memref_slice %arg2[%dma_wait3A_194, %dma_wait3A_195] : memref<100000x128xf32, #tpu.memory_space<hbm>> -> memref<128x128xf32, #tpu.memory_space<hbm>>
      tpu.wait_dma2 semaphore(%arg25 : memref<!tpu.dma_semaphore, #tpu.memory_space<semaphore_mem>>) src(%dma_wait3A_196 : memref<128x128xf32, #tpu.memory_space<hbm>>) dst(%arg18 : memref<128x128xf32, #tpu.memory_space<vmem>>)
      %scan3A_197 = arith.constant 0 : i32
      scf.yield %scan3A_197 : i32
    }
    %scan3A_77 = arith.constant 95 : i32
    %scan3A_78 = arith.constant 0 : i32
    %scan3A_79 = arith.constant 0 : i32
    %scan3A_80 = arith.constant 64 : i32
    %scan3A_81 = arith.addi %scan3A_79, %scan3A_80 : i32
    %scan3A_82 = arith.constant 1 : i32
    %scan3A_83 = scf.for %scan3A_189 = %scan3A_79 to %scan3A_81 step %scan3A_82 iter_args(%scan3A_190 = %scan3A_78) -> (i32)  : i32 {
      %mul3A_191 = arith.constant 2 : i32
      %mul3A_192 = arith.muli %mul3A_191, %scan3A_189 : i32
      %mul3A_193 = arith.constant 2 : i32
      %mul3A_194 = arith.muli %mul3A_193, %scan3A_189 : i32
      %add3A_195 = arith.constant 1 : i32
      %add3A_196 = arith.addi %mul3A_194, %add3A_195 : i32
      %broadcast_in_dim3A = arith.constant 0.000000e+00 : f32
      %broadcast_in_dim3A_197 = vector.broadcast %broadcast_in_dim3A : f32 to vector<16xf32>
      %get3A = arith.index_cast %mul3A_192 : i32 to index
      %get3A_198 = arith.constant 0 : index
      %get3A_199 = tpu.vector_load %arg20[%get3A, %get3A_198] {strides = array<i32>} : memref<128x128xf32, #tpu.memory_space<vmem>>, vector<16xf32>,
      %get3A_200 = arith.index_cast %mul3A_192 : i32 to index
      %get3A_201 = arith.constant 0 : index
      %get3A_202 = tpu.vector_load %arg18[%get3A_200, %get3A_201] {strides = array<i32>} : memref<128x128xf32, #tpu.memory_space<vmem>>, vector<16xf32>,
      %mul3A_203 = arith.constant 1.562500e-02 : f32
      %mul3A_204 = vector.broadcast %mul3A_203 : f32 to vector<16xf32>
      %mul3A_205 = arith.mulf %get3A_202, %mul3A_204 : vector<16xf32>
      %add3A_206 = arith.addf %get3A_199, %mul3A_205 : vector<16xf32>
      %get3A_207 = arith.index_cast %mul3A_192 : i32 to index
      %get3A_208 = arith.constant 0 : index
      %get3A_209 = tpu.vector_load %arg19[%get3A_207, %get3A_208] {strides = array<i32>} : memref<128x128xf32, #tpu.memory_space<vmem>>, vector<16xf32>,
      %mul3A_210 = arith.constant 3.125000e-02 : f32
      %mul3A_211 = vector.broadcast %mul3A_210 : f32 to vector<16xf32>
      %mul3A_212 = arith.mulf %get3A_209, %mul3A_211 : vector<16xf32>
      %add3A_213 = arith.addf %add3A_206, %mul3A_212 : vector<16xf32>
      %get3A_214 = arith.index_cast %add3A_196 : i32 to index
      %get3A_215 = arith.constant 0 : index
      %get3A_216 = tpu.vector_load %arg20[%get3A_214, %get3A_215] {strides = array<i32>} : memref<128x128xf32, #tpu.memory_space<vmem>>, vector<16xf32>,
      %get3A_217 = arith.index_cast %add3A_196 : i32 to index
      %get3A_218 = arith.constant 0 : index
      %get3A_219 = tpu.vector_load %arg18[%get3A_217, %get3A_218] {strides = array<i32>} : memref<128x128xf32, #tpu.memory_space<vmem>>, vector<16xf32>,
      %mul3A_220 = arith.constant 1.562500e-02 : f32
      %mul3A_221 = vector.broadcast %mul3A_220 : f32 to vector<16xf32>
      %mul3A_222 = arith.mulf %get3A_219, %mul3A_221 : vector<16xf32>
      %add3A_223 = arith.addf %get3A_216, %mul3A_222 : vector<16xf32>
      %get3A_224 = arith.index_cast %add3A_196 : i32 to index
      %get3A_225 = arith.constant 0 : index
      %get3A_226 = tpu.vector_load %arg19[%get3A_224, %get3A_225] {strides = array<i32>} : memref<128x128xf32, #tpu.memory_space<vmem>>, vector<16xf32>,
      %mul3A_227 = arith.constant 3.125000e-02 : f32
      %mul3A_228 = vector.broadcast %mul3A_227 : f32 to vector<16xf32>
      %mul3A_229 = arith.mulf %get3A_226, %mul3A_228 : vector<16xf32>
      %add3A_230 = arith.addf %add3A_223, %mul3A_229 : vector<16xf32>
      %mul3A_231 = arith.mulf %add3A_213, %add3A_230 : vector<16xf32>
      %add3A_232 = arith.addf %broadcast_in_dim3A_197, %mul3A_231 : vector<16xf32>
      %get3A_233 = arith.index_cast %mul3A_192 : i32 to index
      %get3A_234 = arith.constant 16 : index
      %get3A_235 = tpu.vector_load %arg20[%get3A_233, %get3A_234] {strides = array<i32>} : memref<128x128xf32, #tpu.memory_space<vmem>>, vector<16xf32>,
      %get3A_236 = arith.index_cast %mul3A_192 : i32 to index
      %get3A_237 = arith.constant 16 : index
      %get3A_238 = tpu.vector_load %arg18[%get3A_236, %get3A_237] {strides = array<i32>} : memref<128x128xf32, #tpu.memory_space<vmem>>, vector<16xf32>,
      %mul3A_239 = arith.constant 1.562500e-02 : f32
      %mul3A_240 = vector.broadcast %mul3A_239 : f32 to vector<16xf32>
      %mul3A_241 = arith.mulf %get3A_238, %mul3A_240 : vector<16xf32>
      %add3A_242 = arith.addf %get3A_235, %mul3A_241 : vector<16xf32>
      %get3A_243 = arith.index_cast %mul3A_192 : i32 to index
      %get3A_244 = arith.constant 16 : index
      %get3A_245 = tpu.vector_load %arg19[%get3A_243, %get3A_244] {strides = array<i32>} : memref<128x128xf32, #tpu.memory_space<vmem>>, vector<16xf32>,
      %mul3A_246 = arith.constant 3.125000e-02 : f32
      %mul3A_247 = vector.broadcast %mul3A_246 : f32 to vector<16xf32>
      %mul3A_248 = arith.mulf %get3A_245, %mul3A_247 : vector<16xf32>
      %add3A_249 = arith.addf %add3A_242, %mul3A_248 : vector<16xf32>
      %get3A_250 = arith.index_cast %add3A_196 : i32 to index
      %get3A_251 = arith.constant 16 : index
      %get3A_252 = tpu.vector_load %arg20[%get3A_250, %get3A_251] {strides = array<i32>} : memref<128x128xf32, #tpu.memory_space<vmem>>, vector<16xf32>,
      %get3A_253 = arith.index_cast %add3A_196 : i32 to index
      %get3A_254 = arith.constant 16 : index
      %get3A_255 = tpu.vector_load %arg18[%get3A_253, %get3A_254] {strides = array<i32>} : memref<128x128xf32, #tpu.memory_space<vmem>>, vector<16xf32>,
      %mul3A_256 = arith.constant 1.562500e-02 : f32
      %mul3A_257 = vector.broadcast %mul3A_256 : f32 to vector<16xf32>
      %mul3A_258 = arith.mulf %get3A_255, %mul3A_257 : vector<16xf32>
      %add3A_259 = arith.addf %get3A_252, %mul3A_258 : vector<16xf32>
      %get3A_260 = arith.index_cast %add3A_196 : i32 to index
      %get3A_261 = arith.constant 16 : index
      %get3A_262 = tpu.vector_load %arg19[%get3A_260, %get3A_261] {strides = array<i32>} : memref<128x128xf32, #tpu.memory_space<vmem>>, vector<16xf32>,
      %mul3A_263 = arith.constant 3.125000e-02 : f32
      %mul3A_264 = vector.broadcast %mul3A_263 : f32 to vector<16xf32>
      %mul3A_265 = arith.mulf %get3A_262, %mul3A_264 : vector<16xf32>
      %add3A_266 = arith.addf %add3A_259, %mul3A_265 : vector<16xf32>
      %mul3A_267 = arith.mulf %add3A_249, %add3A_266 : vector<16xf32>
      %add3A_268 = arith.addf %add3A_232, %mul3A_267 : vector<16xf32>
      %get3A_269 = arith.index_cast %mul3A_192 : i32 to index
      %get3A_270 = arith.constant 32 : index
      %get3A_271 = tpu.vector_load %arg20[%get3A_269, %get3A_270] {strides = array<i32>} : memref<128x128xf32, #tpu.memory_space<vmem>>, vector<16xf32>,
      %get3A_272 = arith.index_cast %mul3A_192 : i32 to index
      %get3A_273 = arith.constant 32 : index
      %get3A_274 = tpu.vector_load %arg18[%get3A_272, %get3A_273] {strides = array<i32>} : memref<128x128xf32, #tpu.memory_space<vmem>>, vector<16xf32>,
      %mul3A_275 = arith.constant 1.562500e-02 : f32
      %mul3A_276 = vector.broadcast %mul3A_275 : f32 to vector<16xf32>
      %mul3A_277 = arith.mulf %get3A_274, %mul3A_276 : vector<16xf32>
      %add3A_278 = arith.addf %get3A_271, %mul3A_277 : vector<16xf32>
      %get3A_279 = arith.index_cast %mul3A_192 : i32 to index
      %get3A_280 = arith.constant 32 : index
      %get3A_281 = tpu.vector_load %arg19[%get3A_279, %get3A_280] {strides = array<i32>} : memref<128x128xf32, #tpu.memory_space<vmem>>, vector<16xf32>,
      %mul3A_282 = arith.constant 3.125000e-02 : f32
      %mul3A_283 = vector.broadcast %mul3A_282 : f32 to vector<16xf32>
      %mul3A_284 = arith.mulf %get3A_281, %mul3A_283 : vector<16xf32>
      %add3A_285 = arith.addf %add3A_278, %mul3A_284 : vector<16xf32>
      %get3A_286 = arith.index_cast %add3A_196 : i32 to index
      %get3A_287 = arith.constant 32 : index
      %get3A_288 = tpu.vector_load %arg20[%get3A_286, %get3A_287] {strides = array<i32>} : memref<128x128xf32, #tpu.memory_space<vmem>>, vector<16xf32>,
      %get3A_289 = arith.index_cast %add3A_196 : i32 to index
      %get3A_290 = arith.constant 32 : index
      %get3A_291 = tpu.vector_load %arg18[%get3A_289, %get3A_290] {strides = array<i32>} : memref<128x128xf32, #tpu.memory_space<vmem>>, vector<16xf32>,
      %mul3A_292 = arith.constant 1.562500e-02 : f32
      %mul3A_293 = vector.broadcast %mul3A_292 : f32 to vector<16xf32>
      %mul3A_294 = arith.mulf %get3A_291, %mul3A_293 : vector<16xf32>
      %add3A_295 = arith.addf %get3A_288, %mul3A_294 : vector<16xf32>
      %get3A_296 = arith.index_cast %add3A_196 : i32 to index
      %get3A_297 = arith.constant 32 : index
      %get3A_298 = tpu.vector_load %arg19[%get3A_296, %get3A_297] {strides = array<i32>} : memref<128x128xf32, #tpu.memory_space<vmem>>, vector<16xf32>,
      %mul3A_299 = arith.constant 3.125000e-02 : f32
      %mul3A_300 = vector.broadcast %mul3A_299 : f32 to vector<16xf32>
      %mul3A_301 = arith.mulf %get3A_298, %mul3A_300 : vector<16xf32>
      %add3A_302 = arith.addf %add3A_295, %mul3A_301 : vector<16xf32>
      %mul3A_303 = arith.mulf %add3A_285, %add3A_302 : vector<16xf32>
      %add3A_304 = arith.addf %add3A_268, %mul3A_303 : vector<16xf32>
      %get3A_305 = arith.index_cast %mul3A_192 : i32 to index
      %get3A_306 = arith.constant 48 : index
      %get3A_307 = tpu.vector_load %arg20[%get3A_305, %get3A_306] {strides = array<i32>} : memref<128x128xf32, #tpu.memory_space<vmem>>, vector<16xf32>,
      %get3A_308 = arith.index_cast %mul3A_192 : i32 to index
      %get3A_309 = arith.constant 48 : index
      %get3A_310 = tpu.vector_load %arg18[%get3A_308, %get3A_309] {strides = array<i32>} : memref<128x128xf32, #tpu.memory_space<vmem>>, vector<16xf32>,
      %mul3A_311 = arith.constant 1.562500e-02 : f32
      %mul3A_312 = vector.broadcast %mul3A_311 : f32 to vector<16xf32>
      %mul3A_313 = arith.mulf %get3A_310, %mul3A_312 : vector<16xf32>
      %add3A_314 = arith.addf %get3A_307, %mul3A_313 : vector<16xf32>
      %get3A_315 = arith.index_cast %mul3A_192 : i32 to index
      %get3A_316 = arith.constant 48 : index
      %get3A_317 = tpu.vector_load %arg19[%get3A_315, %get3A_316] {strides = array<i32>} : memref<128x128xf32, #tpu.memory_space<vmem>>, vector<16xf32>,
      %mul3A_318 = arith.constant 3.125000e-02 : f32
      %mul3A_319 = vector.broadcast %mul3A_318 : f32 to vector<16xf32>
      %mul3A_320 = arith.mulf %get3A_317, %mul3A_319 : vector<16xf32>
      %add3A_321 = arith.addf %add3A_314, %mul3A_320 : vector<16xf32>
      %get3A_322 = arith.index_cast %add3A_196 : i32 to index
      %get3A_323 = arith.constant 48 : index
      %get3A_324 = tpu.vector_load %arg20[%get3A_322, %get3A_323] {strides = array<i32>} : memref<128x128xf32, #tpu.memory_space<vmem>>, vector<16xf32>,
      %get3A_325 = arith.index_cast %add3A_196 : i32 to index
      %get3A_326 = arith.constant 48 : index
      %get3A_327 = tpu.vector_load %arg18[%get3A_325, %get3A_326] {strides = array<i32>} : memref<128x128xf32, #tpu.memory_space<vmem>>, vector<16xf32>,
      %mul3A_328 = arith.constant 1.562500e-02 : f32
      %mul3A_329 = vector.broadcast %mul3A_328 : f32 to vector<16xf32>
      %mul3A_330 = arith.mulf %get3A_327, %mul3A_329 : vector<16xf32>
      %add3A_331 = arith.addf %get3A_324, %mul3A_330 : vector<16xf32>
      %get3A_332 = arith.index_cast %add3A_196 : i32 to index
      %get3A_333 = arith.constant 48 : index
      %get3A_334 = tpu.vector_load %arg19[%get3A_332, %get3A_333] {strides = array<i32>} : memref<128x128xf32, #tpu.memory_space<vmem>>, vector<16xf32>,
      %mul3A_335 = arith.constant 3.125000e-02 : f32
      %mul3A_336 = vector.broadcast %mul3A_335 : f32 to vector<16xf32>
      %mul3A_337 = arith.mulf %get3A_334, %mul3A_336 : vector<16xf32>
      %add3A_338 = arith.addf %add3A_331, %mul3A_337 : vector<16xf32>
      %mul3A_339 = arith.mulf %add3A_321, %add3A_338 : vector<16xf32>
      %add3A_340 = arith.addf %add3A_304, %mul3A_339 : vector<16xf32>
      %get3A_341 = arith.index_cast %mul3A_192 : i32 to index
      %get3A_342 = arith.constant 64 : index
      %get3A_343 = tpu.vector_load %arg20[%get3A_341, %get3A_342] {strides = array<i32>} : memref<128x128xf32, #tpu.memory_space<vmem>>, vector<16xf32>,
      %get3A_344 = arith.index_cast %mul3A_192 : i32 to index
      %get3A_345 = arith.constant 64 : index
      %get3A_346 = tpu.vector_load %arg18[%get3A_344, %get3A_345] {strides = array<i32>} : memref<128x128xf32, #tpu.memory_space<vmem>>, vector<16xf32>,
      %mul3A_347 = arith.constant 1.562500e-02 : f32
      %mul3A_348 = vector.broadcast %mul3A_347 : f32 to vector<16xf32>
      %mul3A_349 = arith.mulf %get3A_346, %mul3A_348 : vector<16xf32>
      %add3A_350 = arith.addf %get3A_343, %mul3A_349 : vector<16xf32>
      %get3A_351 = arith.index_cast %mul3A_192 : i32 to index
      %get3A_352 = arith.constant 64 : index
      %get3A_353 = tpu.vector_load %arg19[%get3A_351, %get3A_352] {strides = array<i32>} : memref<128x128xf32, #tpu.memory_space<vmem>>, vector<16xf32>,
      %mul3A_354 = arith.constant 3.125000e-02 : f32
      %mul3A_355 = vector.broadcast %mul3A_354 : f32 to vector<16xf32>
      %mul3A_356 = arith.mulf %get3A_353, %mul3A_355 : vector<16xf32>
      %add3A_357 = arith.addf %add3A_350, %mul3A_356 : vector<16xf32>
      %get3A_358 = arith.index_cast %add3A_196 : i32 to index
      %get3A_359 = arith.constant 64 : index
      %get3A_360 = tpu.vector_load %arg20[%get3A_358, %get3A_359] {strides = array<i32>} : memref<128x128xf32, #tpu.memory_space<vmem>>, vector<16xf32>,
      %get3A_361 = arith.index_cast %add3A_196 : i32 to index
      %get3A_362 = arith.constant 64 : index
      %get3A_363 = tpu.vector_load %arg18[%get3A_361, %get3A_362] {strides = array<i32>} : memref<128x128xf32, #tpu.memory_space<vmem>>, vector<16xf32>,
      %mul3A_364 = arith.constant 1.562500e-02 : f32
      %mul3A_365 = vector.broadcast %mul3A_364 : f32 to vector<16xf32>
      %mul3A_366 = arith.mulf %get3A_363, %mul3A_365 : vector<16xf32>
      %add3A_367 = arith.addf %get3A_360, %mul3A_366 : vector<16xf32>
      %get3A_368 = arith.index_cast %add3A_196 : i32 to index
      %get3A_369 = arith.constant 64 : index
      %get3A_370 = tpu.vector_load %arg19[%get3A_368, %get3A_369] {strides = array<i32>} : memref<128x128xf32, #tpu.memory_space<vmem>>, vector<16xf32>,
      %mul3A_371 = arith.constant 3.125000e-02 : f32
      %mul3A_372 = vector.broadcast %mul3A_371 : f32 to vector<16xf32>
      %mul3A_373 = arith.mulf %get3A_370, %mul3A_372 : vector<16xf32>
      %add3A_374 = arith.addf %add3A_367, %mul3A_373 : vector<16xf32>
      %mul3A_375 = arith.mulf %add3A_357, %add3A_374 : vector<16xf32>
      %add3A_376 = arith.addf %add3A_340, %mul3A_375 : vector<16xf32>
      %get3A_377 = arith.index_cast %mul3A_192 : i32 to index
      %get3A_378 = arith.constant 80 : index
      %get3A_379 = tpu.vector_load %arg20[%get3A_377, %get3A_378] {strides = array<i32>} : memref<128x128xf32, #tpu.memory_space<vmem>>, vector<16xf32>,
      %get3A_380 = arith.index_cast %mul3A_192 : i32 to index
      %get3A_381 = arith.constant 80 : index
      %get3A_382 = tpu.vector_load %arg18[%get3A_380, %get3A_381] {strides = array<i32>} : memref<128x128xf32, #tpu.memory_space<vmem>>, vector<16xf32>,
      %mul3A_383 = arith.constant 1.562500e-02 : f32
      %mul3A_384 = vector.broadcast %mul3A_383 : f32 to vector<16xf32>
      %mul3A_385 = arith.mulf %get3A_382, %mul3A_384 : vector<16xf32>
      %add3A_386 = arith.addf %get3A_379, %mul3A_385 : vector<16xf32>
      %get3A_387 = arith.index_cast %mul3A_192 : i32 to index
      %get3A_388 = arith.constant 80 : index
      %get3A_389 = tpu.vector_load %arg19[%get3A_387, %get3A_388] {strides = array<i32>} : memref<128x128xf32, #tpu.memory_space<vmem>>, vector<16xf32>,
      %mul3A_390 = arith.constant 3.125000e-02 : f32
      %mul3A_391 = vector.broadcast %mul3A_390 : f32 to vector<16xf32>
      %mul3A_392 = arith.mulf %get3A_389, %mul3A_391 : vector<16xf32>
      %add3A_393 = arith.addf %add3A_386, %mul3A_392 : vector<16xf32>
      %get3A_394 = arith.index_cast %add3A_196 : i32 to index
      %get3A_395 = arith.constant 80 : index
      %get3A_396 = tpu.vector_load %arg20[%get3A_394, %get3A_395] {strides = array<i32>} : memref<128x128xf32, #tpu.memory_space<vmem>>, vector<16xf32>,
      %get3A_397 = arith.index_cast %add3A_196 : i32 to index
      %get3A_398 = arith.constant 80 : index
      %get3A_399 = tpu.vector_load %arg18[%get3A_397, %get3A_398] {strides = array<i32>} : memref<128x128xf32, #tpu.memory_space<vmem>>, vector<16xf32>,
      %mul3A_400 = arith.constant 1.562500e-02 : f32
      %mul3A_401 = vector.broadcast %mul3A_400 : f32 to vector<16xf32>
      %mul3A_402 = arith.mulf %get3A_399, %mul3A_401 : vector<16xf32>
      %add3A_403 = arith.addf %get3A_396, %mul3A_402 : vector<16xf32>
      %get3A_404 = arith.index_cast %add3A_196 : i32 to index
      %get3A_405 = arith.constant 80 : index
      %get3A_406 = tpu.vector_load %arg19[%get3A_404, %get3A_405] {strides = array<i32>} : memref<128x128xf32, #tpu.memory_space<vmem>>, vector<16xf32>,
      %mul3A_407 = arith.constant 3.125000e-02 : f32
      %mul3A_408 = vector.broadcast %mul3A_407 : f32 to vector<16xf32>
      %mul3A_409 = arith.mulf %get3A_406, %mul3A_408 : vector<16xf32>
      %add3A_410 = arith.addf %add3A_403, %mul3A_409 : vector<16xf32>
      %mul3A_411 = arith.mulf %add3A_393, %add3A_410 : vector<16xf32>
      %add3A_412 = arith.addf %add3A_376, %mul3A_411 : vector<16xf32>
      %get3A_413 = arith.index_cast %mul3A_192 : i32 to index
      %get3A_414 = arith.constant 96 : index
      %get3A_415 = tpu.vector_load %arg20[%get3A_413, %get3A_414] {strides = array<i32>} : memref<128x128xf32, #tpu.memory_space<vmem>>, vector<16xf32>,
      %get3A_416 = arith.index_cast %mul3A_192 : i32 to index
      %get3A_417 = arith.constant 96 : index
      %get3A_418 = tpu.vector_load %arg18[%get3A_416, %get3A_417] {strides = array<i32>} : memref<128x128xf32, #tpu.memory_space<vmem>>, vector<16xf32>,
      %mul3A_419 = arith.constant 1.562500e-02 : f32
      %mul3A_420 = vector.broadcast %mul3A_419 : f32 to vector<16xf32>
      %mul3A_421 = arith.mulf %get3A_418, %mul3A_420 : vector<16xf32>
      %add3A_422 = arith.addf %get3A_415, %mul3A_421 : vector<16xf32>
      %get3A_423 = arith.index_cast %mul3A_192 : i32 to index
      %get3A_424 = arith.constant 96 : index
      %get3A_425 = tpu.vector_load %arg19[%get3A_423, %get3A_424] {strides = array<i32>} : memref<128x128xf32, #tpu.memory_space<vmem>>, vector<16xf32>,
      %mul3A_426 = arith.constant 3.125000e-02 : f32
      %mul3A_427 = vector.broadcast %mul3A_426 : f32 to vector<16xf32>
      %mul3A_428 = arith.mulf %get3A_425, %mul3A_427 : vector<16xf32>
      %add3A_429 = arith.addf %add3A_422, %mul3A_428 : vector<16xf32>
      %get3A_430 = arith.index_cast %add3A_196 : i32 to index
      %get3A_431 = arith.constant 96 : index
      %get3A_432 = tpu.vector_load %arg20[%get3A_430, %get3A_431] {strides = array<i32>} : memref<128x128xf32, #tpu.memory_space<vmem>>, vector<16xf32>,
      %get3A_433 = arith.index_cast %add3A_196 : i32 to index
      %get3A_434 = arith.constant 96 : index
      %get3A_435 = tpu.vector_load %arg18[%get3A_433, %get3A_434] {strides = array<i32>} : memref<128x128xf32, #tpu.memory_space<vmem>>, vector<16xf32>,
      %mul3A_436 = arith.constant 1.562500e-02 : f32
      %mul3A_437 = vector.broadcast %mul3A_436 : f32 to vector<16xf32>
      %mul3A_438 = arith.mulf %get3A_435, %mul3A_437 : vector<16xf32>
      %add3A_439 = arith.addf %get3A_432, %mul3A_438 : vector<16xf32>
      %get3A_440 = arith.index_cast %add3A_196 : i32 to index
      %get3A_441 = arith.constant 96 : index
      %get3A_442 = tpu.vector_load %arg19[%get3A_440, %get3A_441] {strides = array<i32>} : memref<128x128xf32, #tpu.memory_space<vmem>>, vector<16xf32>,
      %mul3A_443 = arith.constant 3.125000e-02 : f32
      %mul3A_444 = vector.broadcast %mul3A_443 : f32 to vector<16xf32>
      %mul3A_445 = arith.mulf %get3A_442, %mul3A_444 : vector<16xf32>
      %add3A_446 = arith.addf %add3A_439, %mul3A_445 : vector<16xf32>
      %mul3A_447 = arith.mulf %add3A_429, %add3A_446 : vector<16xf32>
      %add3A_448 = arith.addf %add3A_412, %mul3A_447 : vector<16xf32>
      %get3A_449 = arith.index_cast %mul3A_192 : i32 to index
      %get3A_450 = arith.constant 112 : index
      %get3A_451 = tpu.vector_load %arg20[%get3A_449, %get3A_450] {strides = array<i32>} : memref<128x128xf32, #tpu.memory_space<vmem>>, vector<16xf32>,
      %get3A_452 = arith.index_cast %mul3A_192 : i32 to index
      %get3A_453 = arith.constant 112 : index
      %get3A_454 = tpu.vector_load %arg18[%get3A_452, %get3A_453] {strides = array<i32>} : memref<128x128xf32, #tpu.memory_space<vmem>>, vector<16xf32>,
      %mul3A_455 = arith.constant 1.562500e-02 : f32
      %mul3A_456 = vector.broadcast %mul3A_455 : f32 to vector<16xf32>
      %mul3A_457 = arith.mulf %get3A_454, %mul3A_456 : vector<16xf32>
      %add3A_458 = arith.addf %get3A_451, %mul3A_457 : vector<16xf32>
      %get3A_459 = arith.index_cast %mul3A_192 : i32 to index
      %get3A_460 = arith.constant 112 : index
      %get3A_461 = tpu.vector_load %arg19[%get3A_459, %get3A_460] {strides = array<i32>} : memref<128x128xf32, #tpu.memory_space<vmem>>, vector<16xf32>,
      %mul3A_462 = arith.constant 3.125000e-02 : f32
      %mul3A_463 = vector.broadcast %mul3A_462 : f32 to vector<16xf32>
      %mul3A_464 = arith.mulf %get3A_461, %mul3A_463 : vector<16xf32>
      %add3A_465 = arith.addf %add3A_458, %mul3A_464 : vector<16xf32>
      %get3A_466 = arith.index_cast %add3A_196 : i32 to index
      %get3A_467 = arith.constant 112 : index
      %get3A_468 = tpu.vector_load %arg20[%get3A_466, %get3A_467] {strides = array<i32>} : memref<128x128xf32, #tpu.memory_space<vmem>>, vector<16xf32>,
      %get3A_469 = arith.index_cast %add3A_196 : i32 to index
      %get3A_470 = arith.constant 112 : index
      %get3A_471 = tpu.vector_load %arg18[%get3A_469, %get3A_470] {strides = array<i32>} : memref<128x128xf32, #tpu.memory_space<vmem>>, vector<16xf32>,
      %mul3A_472 = arith.constant 1.562500e-02 : f32
      %mul3A_473 = vector.broadcast %mul3A_472 : f32 to vector<16xf32>
      %mul3A_474 = arith.mulf %get3A_471, %mul3A_473 : vector<16xf32>
      %add3A_475 = arith.addf %get3A_468, %mul3A_474 : vector<16xf32>
      %get3A_476 = arith.index_cast %add3A_196 : i32 to index
      %get3A_477 = arith.constant 112 : index
      %get3A_478 = tpu.vector_load %arg19[%get3A_476, %get3A_477] {strides = array<i32>} : memref<128x128xf32, #tpu.memory_space<vmem>>, vector<16xf32>,
      %mul3A_479 = arith.constant 3.125000e-02 : f32
      %mul3A_480 = vector.broadcast %mul3A_479 : f32 to vector<16xf32>
      %mul3A_481 = arith.mulf %get3A_478, %mul3A_480 : vector<16xf32>
      %add3A_482 = arith.addf %add3A_475, %mul3A_481 : vector<16xf32>
      %mul3A_483 = arith.mulf %add3A_465, %add3A_482 : vector<16xf32>
      %add3A_484 = arith.addf %add3A_448, %mul3A_483 : vector<16xf32>
      %mul3A_485 = arith.constant 16 : i32
      %mul3A_486 = arith.muli %scan3A_189, %mul3A_485 : i32
      %swap3A = arith.index_cast %mul3A_486 : i32 to index
      %swap3A_487 = tpu.vector_load %arg22[%swap3A] {strides = array<i32>} : memref<1024xf32, #tpu.memory_space<vmem>>, vector<16xf32>,
      tpu.vector_store %arg22[%swap3A], %add3A_484 {strides = array<i32>} : memref<1024xf32, #tpu.memory_space<vmem>>, vector<16xf32>,
      %scan3A_488 = arith.constant 0 : i32
      scf.yield %scan3A_488 : i32
    }
    %scan3A_84 = arith.constant 64 : i32
    %scan3A_85 = arith.constant 0 : i32
    %scan3A_86 = arith.constant 0 : i32
    %scan3A_87 = arith.constant 4 : i32
    %scan3A_88 = arith.addi %scan3A_86, %scan3A_87 : i32
    %scan3A_89 = arith.constant 1 : i32
    %scan3A_90 = scf.for %scan3A_189 = %scan3A_86 to %scan3A_88 step %scan3A_89 iter_args(%scan3A_190 = %scan3A_85) -> (i32)  : i32 {
      %mul3A_191 = arith.constant 16 : i32
      %mul3A_192 = arith.muli %scan3A_189, %mul3A_191 : i32
      %iota3A = tpu.iota {dimensions = array<i32: 0>} : vector<16xi32>
      %add3A_193 = vector.broadcast %mul3A_192 : i32 to vector<16xi32>
      %add3A_194 = arith.addi %add3A_193, %iota3A : vector<16xi32>
      %broadcast_in_dim3A = arith.constant 0.000000e+00 : f32
      %broadcast_in_dim3A_195 = vector.broadcast %broadcast_in_dim3A : f32 to vector<16xf32>
      %mul3A_196 = arith.constant 16 : i32
      %mul3A_197 = vector.broadcast %mul3A_196 : i32 to vector<16xi32>
      %mul3A_198 = arith.muli %add3A_194, %mul3A_197 : vector<16xi32>
      %add3A_199 = arith.constant 0 : i32
      %add3A_200 = vector.broadcast %add3A_199 : i32 to vector<16xi32>
      %add3A_201 = arith.addi %mul3A_198, %add3A_200 : vector<16xi32>
      %gather3A = tpu.vector_load_idx %arg22[%add3A_201] : memref<1024xf32, #tpu.memory_space<vmem>>[vector<16xi32>], vector<16xf32>,
      %add3A_202 = arith.addf %broadcast_in_dim3A_195, %gather3A : vector<16xf32>
      %mul3A_203 = arith.constant 16 : i32
      %mul3A_204 = vector.broadcast %mul3A_203 : i32 to vector<16xi32>
      %mul3A_205 = arith.muli %add3A_194, %mul3A_204 : vector<16xi32>
      %add3A_206 = arith.constant 1 : i32
      %add3A_207 = vector.broadcast %add3A_206 : i32 to vector<16xi32>
      %add3A_208 = arith.addi %mul3A_205, %add3A_207 : vector<16xi32>
      %gather3A_209 = tpu.vector_load_idx %arg22[%add3A_208] : memref<1024xf32, #tpu.memory_space<vmem>>[vector<16xi32>], vector<16xf32>,
      %add3A_210 = arith.addf %add3A_202, %gather3A_209 : vector<16xf32>
      %mul3A_211 = arith.constant 16 : i32
      %mul3A_212 = vector.broadcast %mul3A_211 : i32 to vector<16xi32>
      %mul3A_213 = arith.muli %add3A_194, %mul3A_212 : vector<16xi32>
      %add3A_214 = arith.constant 2 : i32
      %add3A_215 = vector.broadcast %add3A_214 : i32 to vector<16xi32>
      %add3A_216 = arith.addi %mul3A_213, %add3A_215 : vector<16xi32>
      %gather3A_217 = tpu.vector_load_idx %arg22[%add3A_216] : memref<1024xf32, #tpu.memory_space<vmem>>[vector<16xi32>], vector<16xf32>,
      %add3A_218 = arith.addf %add3A_210, %gather3A_217 : vector<16xf32>
      %mul3A_219 = arith.constant 16 : i32
      %mul3A_220 = vector.broadcast %mul3A_219 : i32 to vector<16xi32>
      %mul3A_221 = arith.muli %add3A_194, %mul3A_220 : vector<16xi32>
      %add3A_222 = arith.constant 3 : i32
      %add3A_223 = vector.broadcast %add3A_222 : i32 to vector<16xi32>
      %add3A_224 = arith.addi %mul3A_221, %add3A_223 : vector<16xi32>
      %gather3A_225 = tpu.vector_load_idx %arg22[%add3A_224] : memref<1024xf32, #tpu.memory_space<vmem>>[vector<16xi32>], vector<16xf32>,
      %add3A_226 = arith.addf %add3A_218, %gather3A_225 : vector<16xf32>
      %mul3A_227 = arith.constant 16 : i32
      %mul3A_228 = vector.broadcast %mul3A_227 : i32 to vector<16xi32>
      %mul3A_229 = arith.muli %add3A_194, %mul3A_228 : vector<16xi32>
      %add3A_230 = arith.constant 4 : i32
      %add3A_231 = vector.broadcast %add3A_230 : i32 to vector<16xi32>
      %add3A_232 = arith.addi %mul3A_229, %add3A_231 : vector<16xi32>
      %gather3A_233 = tpu.vector_load_idx %arg22[%add3A_232] : memref<1024xf32, #tpu.memory_space<vmem>>[vector<16xi32>], vector<16xf32>,
      %add3A_234 = arith.addf %add3A_226, %gather3A_233 : vector<16xf32>
      %mul3A_235 = arith.constant 16 : i32
      %mul3A_236 = vector.broadcast %mul3A_235 : i32 to vector<16xi32>
      %mul3A_237 = arith.muli %add3A_194, %mul3A_236 : vector<16xi32>
      %add3A_238 = arith.constant 5 : i32
      %add3A_239 = vector.broadcast %add3A_238 : i32 to vector<16xi32>
      %add3A_240 = arith.addi %mul3A_237, %add3A_239 : vector<16xi32>
      %gather3A_241 = tpu.vector_load_idx %arg22[%add3A_240] : memref<1024xf32, #tpu.memory_space<vmem>>[vector<16xi32>], vector<16xf32>,
      %add3A_242 = arith.addf %add3A_234, %gather3A_241 : vector<16xf32>
      %mul3A_243 = arith.constant 16 : i32
      %mul3A_244 = vector.broadcast %mul3A_243 : i32 to vector<16xi32>
      %mul3A_245 = arith.muli %add3A_194, %mul3A_244 : vector<16xi32>
      %add3A_246 = arith.constant 6 : i32
      %add3A_247 = vector.broadcast %add3A_246 : i32 to vector<16xi32>
      %add3A_248 = arith.addi %mul3A_245, %add3A_247 : vector<16xi32>
      %gather3A_249 = tpu.vector_load_idx %arg22[%add3A_248] : memref<1024xf32, #tpu.memory_space<vmem>>[vector<16xi32>], vector<16xf32>,
      %add3A_250 = arith.addf %add3A_242, %gather3A_249 : vector<16xf32>
      %mul3A_251 = arith.constant 16 : i32
      %mul3A_252 = vector.broadcast %mul3A_251 : i32 to vector<16xi32>
      %mul3A_253 = arith.muli %add3A_194, %mul3A_252 : vector<16xi32>
      %add3A_254 = arith.constant 7 : i32
      %add3A_255 = vector.broadcast %add3A_254 : i32 to vector<16xi32>
      %add3A_256 = arith.addi %mul3A_253, %add3A_255 : vector<16xi32>
      %gather3A_257 = tpu.vector_load_idx %arg22[%add3A_256] : memref<1024xf32, #tpu.memory_space<vmem>>[vector<16xi32>], vector<16xf32>,
      %add3A_258 = arith.addf %add3A_250, %gather3A_257 : vector<16xf32>
      %mul3A_259 = arith.constant 16 : i32
      %mul3A_260 = vector.broadcast %mul3A_259 : i32 to vector<16xi32>
      %mul3A_261 = arith.muli %add3A_194, %mul3A_260 : vector<16xi32>
      %add3A_262 = arith.constant 8 : i32
      %add3A_263 = vector.broadcast %add3A_262 : i32 to vector<16xi32>
      %add3A_264 = arith.addi %mul3A_261, %add3A_263 : vector<16xi32>
      %gather3A_265 = tpu.vector_load_idx %arg22[%add3A_264] : memref<1024xf32, #tpu.memory_space<vmem>>[vector<16xi32>], vector<16xf32>,
      %add3A_266 = arith.addf %add3A_258, %gather3A_265 : vector<16xf32>
      %mul3A_267 = arith.constant 16 : i32
      %mul3A_268 = vector.broadcast %mul3A_267 : i32 to vector<16xi32>
      %mul3A_269 = arith.muli %add3A_194, %mul3A_268 : vector<16xi32>
      %add3A_270 = arith.constant 9 : i32
      %add3A_271 = vector.broadcast %add3A_270 : i32 to vector<16xi32>
      %add3A_272 = arith.addi %mul3A_269, %add3A_271 : vector<16xi32>
      %gather3A_273 = tpu.vector_load_idx %arg22[%add3A_272] : memref<1024xf32, #tpu.memory_space<vmem>>[vector<16xi32>], vector<16xf32>,
      %add3A_274 = arith.addf %add3A_266, %gather3A_273 : vector<16xf32>
      %mul3A_275 = arith.constant 16 : i32
      %mul3A_276 = vector.broadcast %mul3A_275 : i32 to vector<16xi32>
      %mul3A_277 = arith.muli %add3A_194, %mul3A_276 : vector<16xi32>
      %add3A_278 = arith.constant 10 : i32
      %add3A_279 = vector.broadcast %add3A_278 : i32 to vector<16xi32>
      %add3A_280 = arith.addi %mul3A_277, %add3A_279 : vector<16xi32>
      %gather3A_281 = tpu.vector_load_idx %arg22[%add3A_280] : memref<1024xf32, #tpu.memory_space<vmem>>[vector<16xi32>], vector<16xf32>,
      %add3A_282 = arith.addf %add3A_274, %gather3A_281 : vector<16xf32>
      %mul3A_283 = arith.constant 16 : i32
      %mul3A_284 = vector.broadcast %mul3A_283 : i32 to vector<16xi32>
      %mul3A_285 = arith.muli %add3A_194, %mul3A_284 : vector<16xi32>
      %add3A_286 = arith.constant 11 : i32
      %add3A_287 = vector.broadcast %add3A_286 : i32 to vector<16xi32>
      %add3A_288 = arith.addi %mul3A_285, %add3A_287 : vector<16xi32>
      %gather3A_289 = tpu.vector_load_idx %arg22[%add3A_288] : memref<1024xf32, #tpu.memory_space<vmem>>[vector<16xi32>], vector<16xf32>,
      %add3A_290 = arith.addf %add3A_282, %gather3A_289 : vector<16xf32>
      %mul3A_291 = arith.constant 16 : i32
      %mul3A_292 = vector.broadcast %mul3A_291 : i32 to vector<16xi32>
      %mul3A_293 = arith.muli %add3A_194, %mul3A_292 : vector<16xi32>
      %add3A_294 = arith.constant 12 : i32
      %add3A_295 = vector.broadcast %add3A_294 : i32 to vector<16xi32>
      %add3A_296 = arith.addi %mul3A_293, %add3A_295 : vector<16xi32>
      %gather3A_297 = tpu.vector_load_idx %arg22[%add3A_296] : memref<1024xf32, #tpu.memory_space<vmem>>[vector<16xi32>], vector<16xf32>,
      %add3A_298 = arith.addf %add3A_290, %gather3A_297 : vector<16xf32>
      %mul3A_299 = arith.constant 16 : i32
      %mul3A_300 = vector.broadcast %mul3A_299 : i32 to vector<16xi32>
      %mul3A_301 = arith.muli %add3A_194, %mul3A_300 : vector<16xi32>
      %add3A_302 = arith.constant 13 : i32
      %add3A_303 = vector.broadcast %add3A_302 : i32 to vector<16xi32>
      %add3A_304 = arith.addi %mul3A_301, %add3A_303 : vector<16xi32>
      %gather3A_305 = tpu.vector_load_idx %arg22[%add3A_304] : memref<1024xf32, #tpu.memory_space<vmem>>[vector<16xi32>], vector<16xf32>,
      %add3A_306 = arith.addf %add3A_298, %gather3A_305 : vector<16xf32>
      %mul3A_307 = arith.constant 16 : i32
      %mul3A_308 = vector.broadcast %mul3A_307 : i32 to vector<16xi32>
      %mul3A_309 = arith.muli %add3A_194, %mul3A_308 : vector<16xi32>
      %add3A_310 = arith.constant 14 : i32
      %add3A_311 = vector.broadcast %add3A_310 : i32 to vector<16xi32>
      %add3A_312 = arith.addi %mul3A_309, %add3A_311 : vector<16xi32>
      %gather3A_313 = tpu.vector_load_idx %arg22[%add3A_312] : memref<1024xf32, #tpu.memory_space<vmem>>[vector<16xi32>], vector<16xf32>,
      %add3A_314 = arith.addf %add3A_306, %gather3A_313 : vector<16xf32>
      %mul3A_315 = arith.constant 16 : i32
      %mul3A_316 = vector.broadcast %mul3A_315 : i32 to vector<16xi32>
      %mul3A_317 = arith.muli %add3A_194, %mul3A_316 : vector<16xi32>
      %add3A_318 = arith.constant 15 : i32
      %add3A_319 = vector.broadcast %add3A_318 : i32 to vector<16xi32>
      %add3A_320 = arith.addi %mul3A_317, %add3A_319 : vector<16xi32>
      %gather3A_321 = tpu.vector_load_idx %arg22[%add3A_320] : memref<1024xf32, #tpu.memory_space<vmem>>[vector<16xi32>], vector<16xf32>,
      %add3A_322 = arith.addf %add3A_314, %gather3A_321 : vector<16xf32>
      %mul3A_323 = arith.constant 16 : i32
      %mul3A_324 = arith.muli %scan3A_189, %mul3A_323 : i32
      %add3A_325 = arith.constant 0 : i32
      %add3A_326 = arith.addi %add3A_325, %mul3A_324 : i32
      %swap3A = arith.index_cast %add3A_326 : i32 to index
      %swap3A_327 = tpu.vector_load %arg23[%swap3A] {strides = array<i32>} : memref<128xf32, #tpu.memory_space<vmem>>, vector<16xf32>,
      tpu.vector_store %arg23[%swap3A], %add3A_322 {strides = array<i32>} : memref<128xf32, #tpu.memory_space<vmem>>, vector<16xf32>,
      %scan3A_328 = arith.constant 0 : i32
      scf.yield %scan3A_328 : i32
    }
    %scan3A_91 = arith.constant 4 : i32
    %scan3A_92 = arith.constant 0 : i32
    %scan3A_93 = arith.constant 0 : i32
    %scan3A_94 = arith.constant 32 : i32
    %scan3A_95 = arith.addi %scan3A_93, %scan3A_94 : i32
    %scan3A_96 = arith.constant 1 : i32
    %scan3A_97 = scf.for %scan3A_189 = %scan3A_93 to %scan3A_95 step %scan3A_96 iter_args(%scan3A_190 = %scan3A_92) -> (i32)  : i32 {
      %scan3A_191 = arith.constant 0 : i32
      %scan3A_192 = arith.constant 0 : i32
      %scan3A_193 = arith.constant 8 : i32
      %scan3A_194 = arith.addi %scan3A_192, %scan3A_193 : i32
      %scan3A_195 = arith.constant 1 : i32
      %scan3A_196 = scf.for %scan3A_198 = %scan3A_192 to %scan3A_194 step %scan3A_195 iter_args(%scan3A_199 = %scan3A_191) -> (i32)  : i32 {
        %mul3A_200 = arith.constant 16 : i32
        %mul3A_201 = arith.muli %scan3A_198, %mul3A_200 : i32
        %add3A_202 = arith.constant 128 : i32
        %add3A_203 = arith.addi %add3A_202, %mul3A_201 : i32
        %get3A = arith.index_cast %add3A_203 : i32 to index
        %get3A_204 = tpu.vector_load %arg10[%get3A] {strides = array<i32>} : memref<256xi32, #tpu.memory_space<vmem>>, vector<16xi32>,
        %mul3A_205 = arith.constant 32 : i32
        %mul3A_206 = vector.broadcast %mul3A_205 : i32 to vector<16xi32>
        %mul3A_207 = arith.muli %get3A_204, %mul3A_206 : vector<16xi32>
        %add3A_208 = vector.broadcast %scan3A_189 : i32 to vector<16xi32>
        %add3A_209 = arith.addi %mul3A_207, %add3A_208 : vector<16xi32>
        %mul3A_210 = arith.constant 128 : i32
        %mul3A_211 = arith.muli %scan3A_189, %mul3A_210 : i32
        %mul3A_212 = arith.constant 16 : i32
        %mul3A_213 = arith.muli %scan3A_198, %mul3A_212 : i32
        %add3A_214 = arith.addi %mul3A_211, %mul3A_213 : i32
        %swap3A = arith.index_cast %add3A_214 : i32 to index
        %swap3A_215 = tpu.vector_load %arg11[%swap3A] {strides = array<i32>} : memref<4096xi32, #tpu.memory_space<vmem>>, vector<16xi32>,
        tpu.vector_store %arg11[%swap3A], %add3A_209 {strides = array<i32>} : memref<4096xi32, #tpu.memory_space<vmem>>, vector<16xi32>,
        %scan3A_216 = arith.constant 0 : i32
        scf.yield %scan3A_216 : i32
      }
      %scan3A_197 = arith.constant 8 : i32
      scf.yield %scan3A_196 : i32
    }
    %scan3A_98 = arith.constant 32 : i32
    %dma_start3A_99 = arith.constant 0 : i32
    %dma_start3A_100 = tpu.memref_slice %arg6[%dma_start3A_99] : memref<3200000xi32, #tpu.memory_space<hbm>> -> memref<3200000xi32, #tpu.memory_space<hbm>>
    tpu.enqueue_indirect_dma source(%dma_start3A_100 : memref<3200000xi32, #tpu.memory_space<hbm>>) target(%arg12 : memref<4096xi32, #tpu.memory_space<vmem>>) offsets(%arg11 : memref<4096xi32, #tpu.memory_space<vmem>>) semaphore(%arg24 : memref<!tpu.dma_semaphore, #tpu.memory_space<semaphore_mem>>)
    %dma_wait3A_101 = arith.constant 0 : i32
    %dma_wait3A_102 = tpu.memref_slice %arg6[%dma_wait3A_101] : memref<3200000xi32, #tpu.memory_space<hbm>> -> memref<3200000xi32, #tpu.memory_space<hbm>>
    tpu.wait_indirect_dma semaphore(%arg24 : memref<!tpu.dma_semaphore, #tpu.memory_space<semaphore_mem>>) src(%dma_wait3A_102 : memref<3200000xi32, #tpu.memory_space<hbm>>) dst(%arg12 : memref<4096xi32, #tpu.memory_space<vmem>>)
    %dma_start3A_103 = arith.constant 0 : i32
    %dma_start3A_104 = tpu.memref_slice %arg8[%dma_start3A_103] : memref<1600000xi32, #tpu.memory_space<hbm>> -> memref<1600000xi32, #tpu.memory_space<hbm>>
    tpu.enqueue_indirect_dma source(%dma_start3A_104 : memref<1600000xi32, #tpu.memory_space<hbm>>) target(%arg17 : memref<4096xi32, #tpu.memory_space<vmem>>) offsets(%arg12 : memref<4096xi32, #tpu.memory_space<vmem>>) semaphore(%arg24 : memref<!tpu.dma_semaphore, #tpu.memory_space<semaphore_mem>>)
    %scan3A_105 = arith.constant 0 : i32
    %scan3A_106 = arith.constant 0 : i32
    %scan3A_107 = arith.constant 256 : i32
    %scan3A_108 = arith.addi %scan3A_106, %scan3A_107 : i32
    %scan3A_109 = arith.constant 1 : i32
    %scan3A_110 = scf.for %scan3A_189 = %scan3A_106 to %scan3A_108 step %scan3A_109 iter_args(%scan3A_190 = %scan3A_105) -> (i32)  : i32 {
      %mul3A_191 = arith.constant 16 : i32
      %mul3A_192 = arith.muli %scan3A_189, %mul3A_191 : i32
      %get3A = arith.index_cast %mul3A_192 : i32 to index
      %get3A_193 = tpu.vector_load %arg12[%get3A] {strides = array<i32>} : memref<4096xi32, #tpu.memory_space<vmem>>, vector<16xi32>,
      %mul3A_194 = arith.constant 2 : i32
      %mul3A_195 = vector.broadcast %mul3A_194 : i32 to vector<16xi32>
      %mul3A_196 = arith.muli %mul3A_195, %get3A_193 : vector<16xi32>
      %mul3A_197 = arith.constant 16 : i32
      %mul3A_198 = arith.muli %scan3A_189, %mul3A_197 : i32
      %swap3A = arith.index_cast %mul3A_198 : i32 to index
      %swap3A_199 = tpu.vector_load %arg13[%swap3A] {strides = array<i32>} : memref<4096xi32, #tpu.memory_space<vmem>>, vector<16xi32>,
      tpu.vector_store %arg13[%swap3A], %mul3A_196 {strides = array<i32>} : memref<4096xi32, #tpu.memory_space<vmem>>, vector<16xi32>,
      %mul3A_200 = arith.constant 2 : i32
      %mul3A_201 = vector.broadcast %mul3A_200 : i32 to vector<16xi32>
      %mul3A_202 = arith.muli %mul3A_201, %get3A_193 : vector<16xi32>
      %add3A_203 = arith.constant 1 : i32
      %add3A_204 = vector.broadcast %add3A_203 : i32 to vector<16xi32>
      %add3A_205 = arith.addi %mul3A_202, %add3A_204 : vector<16xi32>
      %mul3A_206 = arith.constant 16 : i32
      %mul3A_207 = arith.muli %scan3A_189, %mul3A_206 : i32
      %swap3A_208 = arith.index_cast %mul3A_207 : i32 to index
      %swap3A_209 = tpu.vector_load %arg14[%swap3A_208] {strides = array<i32>} : memref<4096xi32, #tpu.memory_space<vmem>>, vector<16xi32>,
      tpu.vector_store %arg14[%swap3A_208], %add3A_205 {strides = array<i32>} : memref<4096xi32, #tpu.memory_space<vmem>>, vector<16xi32>,
      %scan3A_210 = arith.constant 0 : i32
      scf.yield %scan3A_210 : i32
    }
    %scan3A_111 = arith.constant 256 : i32
    %dma_start3A_112 = arith.constant 0 : i32
    %dma_start3A_113 = tpu.memref_slice %arg7[%dma_start3A_112] : memref<3200000xi32, #tpu.memory_space<hbm>> -> memref<3200000xi32, #tpu.memory_space<hbm>>
    tpu.enqueue_indirect_dma source(%dma_start3A_113 : memref<3200000xi32, #tpu.memory_space<hbm>>) target(%arg15 : memref<4096xi32, #tpu.memory_space<vmem>>) offsets(%arg13 : memref<4096xi32, #tpu.memory_space<vmem>>) semaphore(%arg24 : memref<!tpu.dma_semaphore, #tpu.memory_space<semaphore_mem>>)
    %dma_start3A_114 = arith.constant 0 : i32
    %dma_start3A_115 = tpu.memref_slice %arg7[%dma_start3A_114] : memref<3200000xi32, #tpu.memory_space<hbm>> -> memref<3200000xi32, #tpu.memory_space<hbm>>
    tpu.enqueue_indirect_dma source(%dma_start3A_115 : memref<3200000xi32, #tpu.memory_space<hbm>>) target(%arg16 : memref<4096xi32, #tpu.memory_space<vmem>>) offsets(%arg14 : memref<4096xi32, #tpu.memory_space<vmem>>) semaphore(%arg24 : memref<!tpu.dma_semaphore, #tpu.memory_space<semaphore_mem>>)
    %dma_wait3A_116 = arith.constant 0 : i32
    %dma_wait3A_117 = tpu.memref_slice %arg8[%dma_wait3A_116] : memref<1600000xi32, #tpu.memory_space<hbm>> -> memref<1600000xi32, #tpu.memory_space<hbm>>
    tpu.wait_indirect_dma semaphore(%arg24 : memref<!tpu.dma_semaphore, #tpu.memory_space<semaphore_mem>>) src(%dma_wait3A_117 : memref<1600000xi32, #tpu.memory_space<hbm>>) dst(%arg17 : memref<4096xi32, #tpu.memory_space<vmem>>)
    %dma_wait3A_118 = arith.constant 0 : i32
    %dma_wait3A_119 = tpu.memref_slice %arg7[%dma_wait3A_118] : memref<3200000xi32, #tpu.memory_space<hbm>> -> memref<3200000xi32, #tpu.memory_space<hbm>>
    tpu.wait_indirect_dma semaphore(%arg24 : memref<!tpu.dma_semaphore, #tpu.memory_space<semaphore_mem>>) src(%dma_wait3A_119 : memref<3200000xi32, #tpu.memory_space<hbm>>) dst(%arg15 : memref<4096xi32, #tpu.memory_space<vmem>>)
    %dma_wait3A_120 = arith.constant 0 : i32
    %dma_wait3A_121 = tpu.memref_slice %arg7[%dma_wait3A_120] : memref<3200000xi32, #tpu.memory_space<hbm>> -> memref<3200000xi32, #tpu.memory_space<hbm>>
    tpu.wait_indirect_dma semaphore(%arg24 : memref<!tpu.dma_semaphore, #tpu.memory_space<semaphore_mem>>) src(%dma_wait3A_121 : memref<3200000xi32, #tpu.memory_space<hbm>>) dst(%arg16 : memref<4096xi32, #tpu.memory_space<vmem>>)
    %dma_start3A_122 = arith.constant 0 : i32
    %dma_start3A_123 = tpu.memref_slice %arg15[%dma_start3A_122] : memref<4096xi32, #tpu.memory_space<vmem>> -> memref<128xi32, #tpu.memory_space<vmem>>
    %dma_start3A_124 = arith.constant 0 : i32
    %dma_start3A_125 = arith.constant 0 : i32
    %dma_start3A_126 = tpu.memref_slice %arg2[%dma_start3A_124, %dma_start3A_125] : memref<100000x128xf32, #tpu.memory_space<hbm>> -> memref<100000x128xf32, #tpu.memory_space<hbm>>
    tpu.enqueue_indirect_dma source(%dma_start3A_126 : memref<100000x128xf32, #tpu.memory_space<hbm>>) target(%arg18 : memref<128x128xf32, #tpu.memory_space<vmem>>) offsets(%dma_start3A_123 : memref<128xi32, #tpu.memory_space<vmem>>) semaphore(%arg24 : memref<!tpu.dma_semaphore, #tpu.memory_space<semaphore_mem>>)
    %dma_start3A_127 = arith.constant 0 : i32
    %dma_start3A_128 = tpu.memref_slice %arg17[%dma_start3A_127] : memref<4096xi32, #tpu.memory_space<vmem>> -> memref<128xi32, #tpu.memory_space<vmem>>
    %dma_start3A_129 = arith.constant 0 : i32
    %dma_start3A_130 = arith.constant 0 : i32
    %dma_start3A_131 = tpu.memref_slice %arg3[%dma_start3A_129, %dma_start3A_130] : memref<10000x128xf32, #tpu.memory_space<hbm>> -> memref<10000x128xf32, #tpu.memory_space<hbm>>
    tpu.enqueue_indirect_dma source(%dma_start3A_131 : memref<10000x128xf32, #tpu.memory_space<hbm>>) target(%arg19 : memref<128x128xf32, #tpu.memory_space<vmem>>) offsets(%dma_start3A_128 : memref<128xi32, #tpu.memory_space<vmem>>) semaphore(%arg24 : memref<!tpu.dma_semaphore, #tpu.memory_space<semaphore_mem>>)
    %dma_wait3A_132 = arith.constant 0 : i32
    %dma_wait3A_133 = tpu.memref_slice %arg15[%dma_wait3A_132] : memref<4096xi32, #tpu.memory_space<vmem>> -> memref<128xi32, #tpu.memory_space<vmem>>
    %dma_wait3A_134 = arith.constant 0 : i32
    %dma_wait3A_135 = arith.constant 0 : i32
    %dma_wait3A_136 = tpu.memref_slice %arg2[%dma_wait3A_134, %dma_wait3A_135] : memref<100000x128xf32, #tpu.memory_space<hbm>> -> memref<100000x128xf32, #tpu.memory_space<hbm>>
    tpu.wait_indirect_dma semaphore(%arg24 : memref<!tpu.dma_semaphore, #tpu.memory_space<semaphore_mem>>) src(%dma_wait3A_136 : memref<100000x128xf32, #tpu.memory_space<hbm>>) dst(%arg18 : memref<128x128xf32, #tpu.memory_space<vmem>>)
    %dma_wait3A_137 = arith.constant 0 : i32
    %dma_wait3A_138 = tpu.memref_slice %arg17[%dma_wait3A_137] : memref<4096xi32, #tpu.memory_space<vmem>> -> memref<128xi32, #tpu.memory_space<vmem>>
    %dma_wait3A_139 = arith.constant 0 : i32
    %dma_wait3A_140 = arith.constant 0 : i32
    %dma_wait3A_141 = tpu.memref_slice %arg3[%dma_wait3A_139, %dma_wait3A_140] : memref<10000x128xf32, #tpu.memory_space<hbm>> -> memref<10000x128xf32, #tpu.memory_space<hbm>>
    tpu.wait_indirect_dma semaphore(%arg24 : memref<!tpu.dma_semaphore, #tpu.memory_space<semaphore_mem>>) src(%dma_wait3A_141 : memref<10000x128xf32, #tpu.memory_space<hbm>>) dst(%arg19 : memref<128x128xf32, #tpu.memory_space<vmem>>)
    %dma_start3A_142 = arith.constant 128 : i32
    %dma_start3A_143 = tpu.memref_slice %arg10[%dma_start3A_142] : memref<256xi32, #tpu.memory_space<vmem>> -> memref<128xi32, #tpu.memory_space<vmem>>
    %dma_start3A_144 = arith.constant 0 : i32
    %dma_start3A_145 = arith.constant 0 : i32
    %dma_start3A_146 = tpu.memref_slice %arg2[%dma_start3A_144, %dma_start3A_145] : memref<100000x128xf32, #tpu.memory_space<hbm>> -> memref<100000x128xf32, #tpu.memory_space<hbm>>
    tpu.enqueue_indirect_dma source(%dma_start3A_146 : memref<100000x128xf32, #tpu.memory_space<hbm>>) target(%arg20 : memref<128x128xf32, #tpu.memory_space<vmem>>) offsets(%dma_start3A_143 : memref<128xi32, #tpu.memory_space<vmem>>) semaphore(%arg25 : memref<!tpu.dma_semaphore, #tpu.memory_space<semaphore_mem>>)
    %dma_start3A_147 = arith.constant 0 : i32
    %dma_start3A_148 = tpu.memref_slice %arg16[%dma_start3A_147] : memref<4096xi32, #tpu.memory_space<vmem>> -> memref<128xi32, #tpu.memory_space<vmem>>
    %dma_start3A_149 = arith.constant 0 : i32
    %dma_start3A_150 = arith.constant 0 : i32
    %dma_start3A_151 = tpu.memref_slice %arg2[%dma_start3A_149, %dma_start3A_150] : memref<100000x128xf32, #tpu.memory_space<hbm>> -> memref<100000x128xf32, #tpu.memory_space<hbm>>
    tpu.enqueue_indirect_dma source(%dma_start3A_151 : memref<100000x128xf32, #tpu.memory_space<hbm>>) target(%arg18 : memref<128x128xf32, #tpu.memory_space<vmem>>) offsets(%dma_start3A_148 : memref<128xi32, #tpu.memory_space<vmem>>) semaphore(%arg25 : memref<!tpu.dma_semaphore, #tpu.memory_space<semaphore_mem>>) {add = true}
    %scan3A_152 = arith.constant 0 : i32
    %scan3A_153 = arith.constant 1 : i32
    %scan3A_154 = arith.constant 31 : i32
    %scan3A_155 = arith.addi %scan3A_153, %scan3A_154 : i32
    %scan3A_156 = arith.constant 1 : i32
    %scan3A_157 = scf.for %scan3A_189 = %scan3A_153 to %scan3A_155 step %scan3A_156 iter_args(%scan3A_190 = %scan3A_152) -> (i32)  : i32 {
      %mul3A_191 = arith.constant 128 : i32
      %mul3A_192 = arith.muli %scan3A_189, %mul3A_191 : i32
      %dma_start3A_193 = tpu.memref_slice %arg15[%mul3A_192] : memref<4096xi32, #tpu.memory_space<vmem>> -> memref<128xi32, #tpu.memory_space<vmem>>
      %dma_start3A_194 = arith.constant 0 : i32
      %dma_start3A_195 = arith.constant 0 : i32
      %dma_start3A_196 = tpu.memref_slice %arg2[%dma_start3A_194, %dma_start3A_195] : memref<100000x128xf32, #tpu.memory_space<hbm>> -> memref<100000x128xf32, #tpu.memory_space<hbm>>
      tpu.enqueue_indirect_dma source(%dma_start3A_196 : memref<100000x128xf32, #tpu.memory_space<hbm>>) target(%arg18 : memref<128x128xf32, #tpu.memory_space<vmem>>) offsets(%dma_start3A_193 : memref<128xi32, #tpu.memory_space<vmem>>) semaphore(%arg25 : memref<!tpu.dma_semaphore, #tpu.memory_space<semaphore_mem>>) {add = true}
      %dma_start3A_197 = tpu.memref_slice %arg16[%mul3A_192] : memref<4096xi32, #tpu.memory_space<vmem>> -> memref<128xi32, #tpu.memory_space<vmem>>
      %dma_start3A_198 = arith.constant 0 : i32
      %dma_start3A_199 = arith.constant 0 : i32
      %dma_start3A_200 = tpu.memref_slice %arg2[%dma_start3A_198, %dma_start3A_199] : memref<100000x128xf32, #tpu.memory_space<hbm>> -> memref<100000x128xf32, #tpu.memory_space<hbm>>
      tpu.enqueue_indirect_dma source(%dma_start3A_200 : memref<100000x128xf32, #tpu.memory_space<hbm>>) target(%arg18 : memref<128x128xf32, #tpu.memory_space<vmem>>) offsets(%dma_start3A_197 : memref<128xi32, #tpu.memory_space<vmem>>) semaphore(%arg25 : memref<!tpu.dma_semaphore, #tpu.memory_space<semaphore_mem>>) {add = true}
      %dma_start3A_201 = tpu.memref_slice %arg17[%mul3A_192] : memref<4096xi32, #tpu.memory_space<vmem>> -> memref<128xi32, #tpu.memory_space<vmem>>
      %dma_start3A_202 = arith.constant 0 : i32
      %dma_start3A_203 = arith.constant 0 : i32
      %dma_start3A_204 = tpu.memref_slice %arg3[%dma_start3A_202, %dma_start3A_203] : memref<10000x128xf32, #tpu.memory_space<hbm>> -> memref<10000x128xf32, #tpu.memory_space<hbm>>
      tpu.enqueue_indirect_dma source(%dma_start3A_204 : memref<10000x128xf32, #tpu.memory_space<hbm>>) target(%arg19 : memref<128x128xf32, #tpu.memory_space<vmem>>) offsets(%dma_start3A_201 : memref<128xi32, #tpu.memory_space<vmem>>) semaphore(%arg25 : memref<!tpu.dma_semaphore, #tpu.memory_space<semaphore_mem>>) {add = true}
      %scan3A_205 = arith.constant 0 : i32
      scf.yield %scan3A_205 : i32
    }
    %scan3A_158 = arith.constant 31 : i32
    %scan3A_159 = arith.constant 0 : i32
    %scan3A_160 = arith.constant 0 : i32
    %scan3A_161 = arith.constant 95 : i32
    %scan3A_162 = arith.addi %scan3A_160, %scan3A_161 : i32
    %scan3A_163 = arith.constant 1 : i32
    %scan3A_164 = scf.for %scan3A_189 = %scan3A_160 to %scan3A_162 step %scan3A_163 iter_args(%scan3A_190 = %scan3A_159) -> (i32)  : i32 {
      %dma_wait3A_191 = arith.constant 0 : i32
      %dma_wait3A_192 = arith.constant 0 : i32
      %dma_wait3A_193 = tpu.memref_slice %arg2[%dma_wait3A_191, %dma_wait3A_192] : memref<100000x128xf32, #tpu.memory_space<hbm>> -> memref<128x128xf32, #tpu.memory_space<hbm>>
      %dma_wait3A_194 = arith.constant 0 : i32
      %dma_wait3A_195 = arith.constant 0 : i32
      %dma_wait3A_196 = tpu.memref_slice %arg2[%dma_wait3A_194, %dma_wait3A_195] : memref<100000x128xf32, #tpu.memory_space<hbm>> -> memref<128x128xf32, #tpu.memory_space<hbm>>
      tpu.wait_dma2 semaphore(%arg25 : memref<!tpu.dma_semaphore, #tpu.memory_space<semaphore_mem>>) src(%dma_wait3A_196 : memref<128x128xf32, #tpu.memory_space<hbm>>) dst(%arg18 : memref<128x128xf32, #tpu.memory_space<vmem>>)
      %scan3A_197 = arith.constant 0 : i32
      scf.yield %scan3A_197 : i32
    }
    %scan3A_165 = arith.constant 95 : i32
    %scan3A_166 = arith.constant 0 : i32
    %scan3A_167 = arith.constant 0 : i32
    %scan3A_168 = arith.constant 64 : i32
    %scan3A_169 = arith.addi %scan3A_167, %scan3A_168 : i32
    %scan3A_170 = arith.constant 1 : i32
    %scan3A_171 = scf.for %scan3A_189 = %scan3A_167 to %scan3A_169 step %scan3A_170 iter_args(%scan3A_190 = %scan3A_166) -> (i32)  : i32 {
      %mul3A_191 = arith.constant 2 : i32
      %mul3A_192 = arith.muli %mul3A_191, %scan3A_189 : i32
      %mul3A_193 = arith.constant 2 : i32
      %mul3A_194 = arith.muli %mul3A_193, %scan3A_189 : i32
      %add3A_195 = arith.constant 1 : i32
      %add3A_196 = arith.addi %mul3A_194, %add3A_195 : i32
      %broadcast_in_dim3A = arith.constant 0.000000e+00 : f32
      %broadcast_in_dim3A_197 = vector.broadcast %broadcast_in_dim3A : f32 to vector<16xf32>
      %get3A = arith.index_cast %mul3A_192 : i32 to index
      %get3A_198 = arith.constant 0 : index
      %get3A_199 = tpu.vector_load %arg20[%get3A, %get3A_198] {strides = array<i32>} : memref<128x128xf32, #tpu.memory_space<vmem>>, vector<16xf32>,
      %get3A_200 = arith.index_cast %mul3A_192 : i32 to index
      %get3A_201 = arith.constant 0 : index
      %get3A_202 = tpu.vector_load %arg18[%get3A_200, %get3A_201] {strides = array<i32>} : memref<128x128xf32, #tpu.memory_space<vmem>>, vector<16xf32>,
      %mul3A_203 = arith.constant 1.562500e-02 : f32
      %mul3A_204 = vector.broadcast %mul3A_203 : f32 to vector<16xf32>
      %mul3A_205 = arith.mulf %get3A_202, %mul3A_204 : vector<16xf32>
      %add3A_206 = arith.addf %get3A_199, %mul3A_205 : vector<16xf32>
      %get3A_207 = arith.index_cast %mul3A_192 : i32 to index
      %get3A_208 = arith.constant 0 : index
      %get3A_209 = tpu.vector_load %arg19[%get3A_207, %get3A_208] {strides = array<i32>} : memref<128x128xf32, #tpu.memory_space<vmem>>, vector<16xf32>,
      %mul3A_210 = arith.constant 3.125000e-02 : f32
      %mul3A_211 = vector.broadcast %mul3A_210 : f32 to vector<16xf32>
      %mul3A_212 = arith.mulf %get3A_209, %mul3A_211 : vector<16xf32>
      %add3A_213 = arith.addf %add3A_206, %mul3A_212 : vector<16xf32>
      %get3A_214 = arith.index_cast %add3A_196 : i32 to index
      %get3A_215 = arith.constant 0 : index
      %get3A_216 = tpu.vector_load %arg20[%get3A_214, %get3A_215] {strides = array<i32>} : memref<128x128xf32, #tpu.memory_space<vmem>>, vector<16xf32>,
      %get3A_217 = arith.index_cast %add3A_196 : i32 to index
      %get3A_218 = arith.constant 0 : index
      %get3A_219 = tpu.vector_load %arg18[%get3A_217, %get3A_218] {strides = array<i32>} : memref<128x128xf32, #tpu.memory_space<vmem>>, vector<16xf32>,
      %mul3A_220 = arith.constant 1.562500e-02 : f32
      %mul3A_221 = vector.broadcast %mul3A_220 : f32 to vector<16xf32>
      %mul3A_222 = arith.mulf %get3A_219, %mul3A_221 : vector<16xf32>
      %add3A_223 = arith.addf %get3A_216, %mul3A_222 : vector<16xf32>
      %get3A_224 = arith.index_cast %add3A_196 : i32 to index
      %get3A_225 = arith.constant 0 : index
      %get3A_226 = tpu.vector_load %arg19[%get3A_224, %get3A_225] {strides = array<i32>} : memref<128x128xf32, #tpu.memory_space<vmem>>, vector<16xf32>,
      %mul3A_227 = arith.constant 3.125000e-02 : f32
      %mul3A_228 = vector.broadcast %mul3A_227 : f32 to vector<16xf32>
      %mul3A_229 = arith.mulf %get3A_226, %mul3A_228 : vector<16xf32>
      %add3A_230 = arith.addf %add3A_223, %mul3A_229 : vector<16xf32>
      %mul3A_231 = arith.mulf %add3A_213, %add3A_230 : vector<16xf32>
      %add3A_232 = arith.addf %broadcast_in_dim3A_197, %mul3A_231 : vector<16xf32>
      %get3A_233 = arith.index_cast %mul3A_192 : i32 to index
      %get3A_234 = arith.constant 16 : index
      %get3A_235 = tpu.vector_load %arg20[%get3A_233, %get3A_234] {strides = array<i32>} : memref<128x128xf32, #tpu.memory_space<vmem>>, vector<16xf32>,
      %get3A_236 = arith.index_cast %mul3A_192 : i32 to index
      %get3A_237 = arith.constant 16 : index
      %get3A_238 = tpu.vector_load %arg18[%get3A_236, %get3A_237] {strides = array<i32>} : memref<128x128xf32, #tpu.memory_space<vmem>>, vector<16xf32>,
      %mul3A_239 = arith.constant 1.562500e-02 : f32
      %mul3A_240 = vector.broadcast %mul3A_239 : f32 to vector<16xf32>
      %mul3A_241 = arith.mulf %get3A_238, %mul3A_240 : vector<16xf32>
      %add3A_242 = arith.addf %get3A_235, %mul3A_241 : vector<16xf32>
      %get3A_243 = arith.index_cast %mul3A_192 : i32 to index
      %get3A_244 = arith.constant 16 : index
      %get3A_245 = tpu.vector_load %arg19[%get3A_243, %get3A_244] {strides = array<i32>} : memref<128x128xf32, #tpu.memory_space<vmem>>, vector<16xf32>,
      %mul3A_246 = arith.constant 3.125000e-02 : f32
      %mul3A_247 = vector.broadcast %mul3A_246 : f32 to vector<16xf32>
      %mul3A_248 = arith.mulf %get3A_245, %mul3A_247 : vector<16xf32>
      %add3A_249 = arith.addf %add3A_242, %mul3A_248 : vector<16xf32>
      %get3A_250 = arith.index_cast %add3A_196 : i32 to index
      %get3A_251 = arith.constant 16 : index
      %get3A_252 = tpu.vector_load %arg20[%get3A_250, %get3A_251] {strides = array<i32>} : memref<128x128xf32, #tpu.memory_space<vmem>>, vector<16xf32>,
      %get3A_253 = arith.index_cast %add3A_196 : i32 to index
      %get3A_254 = arith.constant 16 : index
      %get3A_255 = tpu.vector_load %arg18[%get3A_253, %get3A_254] {strides = array<i32>} : memref<128x128xf32, #tpu.memory_space<vmem>>, vector<16xf32>,
      %mul3A_256 = arith.constant 1.562500e-02 : f32
      %mul3A_257 = vector.broadcast %mul3A_256 : f32 to vector<16xf32>
      %mul3A_258 = arith.mulf %get3A_255, %mul3A_257 : vector<16xf32>
      %add3A_259 = arith.addf %get3A_252, %mul3A_258 : vector<16xf32>
      %get3A_260 = arith.index_cast %add3A_196 : i32 to index
      %get3A_261 = arith.constant 16 : index
      %get3A_262 = tpu.vector_load %arg19[%get3A_260, %get3A_261] {strides = array<i32>} : memref<128x128xf32, #tpu.memory_space<vmem>>, vector<16xf32>,
      %mul3A_263 = arith.constant 3.125000e-02 : f32
      %mul3A_264 = vector.broadcast %mul3A_263 : f32 to vector<16xf32>
      %mul3A_265 = arith.mulf %get3A_262, %mul3A_264 : vector<16xf32>
      %add3A_266 = arith.addf %add3A_259, %mul3A_265 : vector<16xf32>
      %mul3A_267 = arith.mulf %add3A_249, %add3A_266 : vector<16xf32>
      %add3A_268 = arith.addf %add3A_232, %mul3A_267 : vector<16xf32>
      %get3A_269 = arith.index_cast %mul3A_192 : i32 to index
      %get3A_270 = arith.constant 32 : index
      %get3A_271 = tpu.vector_load %arg20[%get3A_269, %get3A_270] {strides = array<i32>} : memref<128x128xf32, #tpu.memory_space<vmem>>, vector<16xf32>,
      %get3A_272 = arith.index_cast %mul3A_192 : i32 to index
      %get3A_273 = arith.constant 32 : index
      %get3A_274 = tpu.vector_load %arg18[%get3A_272, %get3A_273] {strides = array<i32>} : memref<128x128xf32, #tpu.memory_space<vmem>>, vector<16xf32>,
      %mul3A_275 = arith.constant 1.562500e-02 : f32
      %mul3A_276 = vector.broadcast %mul3A_275 : f32 to vector<16xf32>
      %mul3A_277 = arith.mulf %get3A_274, %mul3A_276 : vector<16xf32>
      %add3A_278 = arith.addf %get3A_271, %mul3A_277 : vector<16xf32>
      %get3A_279 = arith.index_cast %mul3A_192 : i32 to index
      %get3A_280 = arith.constant 32 : index
      %get3A_281 = tpu.vector_load %arg19[%get3A_279, %get3A_280] {strides = array<i32>} : memref<128x128xf32, #tpu.memory_space<vmem>>, vector<16xf32>,
      %mul3A_282 = arith.constant 3.125000e-02 : f32
      %mul3A_283 = vector.broadcast %mul3A_282 : f32 to vector<16xf32>
      %mul3A_284 = arith.mulf %get3A_281, %mul3A_283 : vector<16xf32>
      %add3A_285 = arith.addf %add3A_278, %mul3A_284 : vector<16xf32>
      %get3A_286 = arith.index_cast %add3A_196 : i32 to index
      %get3A_287 = arith.constant 32 : index
      %get3A_288 = tpu.vector_load %arg20[%get3A_286, %get3A_287] {strides = array<i32>} : memref<128x128xf32, #tpu.memory_space<vmem>>, vector<16xf32>,
      %get3A_289 = arith.index_cast %add3A_196 : i32 to index
      %get3A_290 = arith.constant 32 : index
      %get3A_291 = tpu.vector_load %arg18[%get3A_289, %get3A_290] {strides = array<i32>} : memref<128x128xf32, #tpu.memory_space<vmem>>, vector<16xf32>,
      %mul3A_292 = arith.constant 1.562500e-02 : f32
      %mul3A_293 = vector.broadcast %mul3A_292 : f32 to vector<16xf32>
      %mul3A_294 = arith.mulf %get3A_291, %mul3A_293 : vector<16xf32>
      %add3A_295 = arith.addf %get3A_288, %mul3A_294 : vector<16xf32>
      %get3A_296 = arith.index_cast %add3A_196 : i32 to index
      %get3A_297 = arith.constant 32 : index
      %get3A_298 = tpu.vector_load %arg19[%get3A_296, %get3A_297] {strides = array<i32>} : memref<128x128xf32, #tpu.memory_space<vmem>>, vector<16xf32>,
      %mul3A_299 = arith.constant 3.125000e-02 : f32
      %mul3A_300 = vector.broadcast %mul3A_299 : f32 to vector<16xf32>
      %mul3A_301 = arith.mulf %get3A_298, %mul3A_300 : vector<16xf32>
      %add3A_302 = arith.addf %add3A_295, %mul3A_301 : vector<16xf32>
      %mul3A_303 = arith.mulf %add3A_285, %add3A_302 : vector<16xf32>
      %add3A_304 = arith.addf %add3A_268, %mul3A_303 : vector<16xf32>
      %get3A_305 = arith.index_cast %mul3A_192 : i32 to index
      %get3A_306 = arith.constant 48 : index
      %get3A_307 = tpu.vector_load %arg20[%get3A_305, %get3A_306] {strides = array<i32>} : memref<128x128xf32, #tpu.memory_space<vmem>>, vector<16xf32>,
      %get3A_308 = arith.index_cast %mul3A_192 : i32 to index
      %get3A_309 = arith.constant 48 : index
      %get3A_310 = tpu.vector_load %arg18[%get3A_308, %get3A_309] {strides = array<i32>} : memref<128x128xf32, #tpu.memory_space<vmem>>, vector<16xf32>,
      %mul3A_311 = arith.constant 1.562500e-02 : f32
      %mul3A_312 = vector.broadcast %mul3A_311 : f32 to vector<16xf32>
      %mul3A_313 = arith.mulf %get3A_310, %mul3A_312 : vector<16xf32>
      %add3A_314 = arith.addf %get3A_307, %mul3A_313 : vector<16xf32>
      %get3A_315 = arith.index_cast %mul3A_192 : i32 to index
      %get3A_316 = arith.constant 48 : index
      %get3A_317 = tpu.vector_load %arg19[%get3A_315, %get3A_316] {strides = array<i32>} : memref<128x128xf32, #tpu.memory_space<vmem>>, vector<16xf32>,
      %mul3A_318 = arith.constant 3.125000e-02 : f32
      %mul3A_319 = vector.broadcast %mul3A_318 : f32 to vector<16xf32>
      %mul3A_320 = arith.mulf %get3A_317, %mul3A_319 : vector<16xf32>
      %add3A_321 = arith.addf %add3A_314, %mul3A_320 : vector<16xf32>
      %get3A_322 = arith.index_cast %add3A_196 : i32 to index
      %get3A_323 = arith.constant 48 : index
      %get3A_324 = tpu.vector_load %arg20[%get3A_322, %get3A_323] {strides = array<i32>} : memref<128x128xf32, #tpu.memory_space<vmem>>, vector<16xf32>,
      %get3A_325 = arith.index_cast %add3A_196 : i32 to index
      %get3A_326 = arith.constant 48 : index
      %get3A_327 = tpu.vector_load %arg18[%get3A_325, %get3A_326] {strides = array<i32>} : memref<128x128xf32, #tpu.memory_space<vmem>>, vector<16xf32>,
      %mul3A_328 = arith.constant 1.562500e-02 : f32
      %mul3A_329 = vector.broadcast %mul3A_328 : f32 to vector<16xf32>
      %mul3A_330 = arith.mulf %get3A_327, %mul3A_329 : vector<16xf32>
      %add3A_331 = arith.addf %get3A_324, %mul3A_330 : vector<16xf32>
      %get3A_332 = arith.index_cast %add3A_196 : i32 to index
      %get3A_333 = arith.constant 48 : index
      %get3A_334 = tpu.vector_load %arg19[%get3A_332, %get3A_333] {strides = array<i32>} : memref<128x128xf32, #tpu.memory_space<vmem>>, vector<16xf32>,
      %mul3A_335 = arith.constant 3.125000e-02 : f32
      %mul3A_336 = vector.broadcast %mul3A_335 : f32 to vector<16xf32>
      %mul3A_337 = arith.mulf %get3A_334, %mul3A_336 : vector<16xf32>
      %add3A_338 = arith.addf %add3A_331, %mul3A_337 : vector<16xf32>
      %mul3A_339 = arith.mulf %add3A_321, %add3A_338 : vector<16xf32>
      %add3A_340 = arith.addf %add3A_304, %mul3A_339 : vector<16xf32>
      %get3A_341 = arith.index_cast %mul3A_192 : i32 to index
      %get3A_342 = arith.constant 64 : index
      %get3A_343 = tpu.vector_load %arg20[%get3A_341, %get3A_342] {strides = array<i32>} : memref<128x128xf32, #tpu.memory_space<vmem>>, vector<16xf32>,
      %get3A_344 = arith.index_cast %mul3A_192 : i32 to index
      %get3A_345 = arith.constant 64 : index
      %get3A_346 = tpu.vector_load %arg18[%get3A_344, %get3A_345] {strides = array<i32>} : memref<128x128xf32, #tpu.memory_space<vmem>>, vector<16xf32>,
      %mul3A_347 = arith.constant 1.562500e-02 : f32
      %mul3A_348 = vector.broadcast %mul3A_347 : f32 to vector<16xf32>
      %mul3A_349 = arith.mulf %get3A_346, %mul3A_348 : vector<16xf32>
      %add3A_350 = arith.addf %get3A_343, %mul3A_349 : vector<16xf32>
      %get3A_351 = arith.index_cast %mul3A_192 : i32 to index
      %get3A_352 = arith.constant 64 : index
      %get3A_353 = tpu.vector_load %arg19[%get3A_351, %get3A_352] {strides = array<i32>} : memref<128x128xf32, #tpu.memory_space<vmem>>, vector<16xf32>,
      %mul3A_354 = arith.constant 3.125000e-02 : f32
      %mul3A_355 = vector.broadcast %mul3A_354 : f32 to vector<16xf32>
      %mul3A_356 = arith.mulf %get3A_353, %mul3A_355 : vector<16xf32>
      %add3A_357 = arith.addf %add3A_350, %mul3A_356 : vector<16xf32>
      %get3A_358 = arith.index_cast %add3A_196 : i32 to index
      %get3A_359 = arith.constant 64 : index
      %get3A_360 = tpu.vector_load %arg20[%get3A_358, %get3A_359] {strides = array<i32>} : memref<128x128xf32, #tpu.memory_space<vmem>>, vector<16xf32>,
      %get3A_361 = arith.index_cast %add3A_196 : i32 to index
      %get3A_362 = arith.constant 64 : index
      %get3A_363 = tpu.vector_load %arg18[%get3A_361, %get3A_362] {strides = array<i32>} : memref<128x128xf32, #tpu.memory_space<vmem>>, vector<16xf32>,
      %mul3A_364 = arith.constant 1.562500e-02 : f32
      %mul3A_365 = vector.broadcast %mul3A_364 : f32 to vector<16xf32>
      %mul3A_366 = arith.mulf %get3A_363, %mul3A_365 : vector<16xf32>
      %add3A_367 = arith.addf %get3A_360, %mul3A_366 : vector<16xf32>
      %get3A_368 = arith.index_cast %add3A_196 : i32 to index
      %get3A_369 = arith.constant 64 : index
      %get3A_370 = tpu.vector_load %arg19[%get3A_368, %get3A_369] {strides = array<i32>} : memref<128x128xf32, #tpu.memory_space<vmem>>, vector<16xf32>,
      %mul3A_371 = arith.constant 3.125000e-02 : f32
      %mul3A_372 = vector.broadcast %mul3A_371 : f32 to vector<16xf32>
      %mul3A_373 = arith.mulf %get3A_370, %mul3A_372 : vector<16xf32>
      %add3A_374 = arith.addf %add3A_367, %mul3A_373 : vector<16xf32>
      %mul3A_375 = arith.mulf %add3A_357, %add3A_374 : vector<16xf32>
      %add3A_376 = arith.addf %add3A_340, %mul3A_375 : vector<16xf32>
      %get3A_377 = arith.index_cast %mul3A_192 : i32 to index
      %get3A_378 = arith.constant 80 : index
      %get3A_379 = tpu.vector_load %arg20[%get3A_377, %get3A_378] {strides = array<i32>} : memref<128x128xf32, #tpu.memory_space<vmem>>, vector<16xf32>,
      %get3A_380 = arith.index_cast %mul3A_192 : i32 to index
      %get3A_381 = arith.constant 80 : index
      %get3A_382 = tpu.vector_load %arg18[%get3A_380, %get3A_381] {strides = array<i32>} : memref<128x128xf32, #tpu.memory_space<vmem>>, vector<16xf32>,
      %mul3A_383 = arith.constant 1.562500e-02 : f32
      %mul3A_384 = vector.broadcast %mul3A_383 : f32 to vector<16xf32>
      %mul3A_385 = arith.mulf %get3A_382, %mul3A_384 : vector<16xf32>
      %add3A_386 = arith.addf %get3A_379, %mul3A_385 : vector<16xf32>
      %get3A_387 = arith.index_cast %mul3A_192 : i32 to index
      %get3A_388 = arith.constant 80 : index
      %get3A_389 = tpu.vector_load %arg19[%get3A_387, %get3A_388] {strides = array<i32>} : memref<128x128xf32, #tpu.memory_space<vmem>>, vector<16xf32>,
      %mul3A_390 = arith.constant 3.125000e-02 : f32
      %mul3A_391 = vector.broadcast %mul3A_390 : f32 to vector<16xf32>
      %mul3A_392 = arith.mulf %get3A_389, %mul3A_391 : vector<16xf32>
      %add3A_393 = arith.addf %add3A_386, %mul3A_392 : vector<16xf32>
      %get3A_394 = arith.index_cast %add3A_196 : i32 to index
      %get3A_395 = arith.constant 80 : index
      %get3A_396 = tpu.vector_load %arg20[%get3A_394, %get3A_395] {strides = array<i32>} : memref<128x128xf32, #tpu.memory_space<vmem>>, vector<16xf32>,
      %get3A_397 = arith.index_cast %add3A_196 : i32 to index
      %get3A_398 = arith.constant 80 : index
      %get3A_399 = tpu.vector_load %arg18[%get3A_397, %get3A_398] {strides = array<i32>} : memref<128x128xf32, #tpu.memory_space<vmem>>, vector<16xf32>,
      %mul3A_400 = arith.constant 1.562500e-02 : f32
      %mul3A_401 = vector.broadcast %mul3A_400 : f32 to vector<16xf32>
      %mul3A_402 = arith.mulf %get3A_399, %mul3A_401 : vector<16xf32>
      %add3A_403 = arith.addf %get3A_396, %mul3A_402 : vector<16xf32>
      %get3A_404 = arith.index_cast %add3A_196 : i32 to index
      %get3A_405 = arith.constant 80 : index
      %get3A_406 = tpu.vector_load %arg19[%get3A_404, %get3A_405] {strides = array<i32>} : memref<128x128xf32, #tpu.memory_space<vmem>>, vector<16xf32>,
      %mul3A_407 = arith.constant 3.125000e-02 : f32
      %mul3A_408 = vector.broadcast %mul3A_407 : f32 to vector<16xf32>
      %mul3A_409 = arith.mulf %get3A_406, %mul3A_408 : vector<16xf32>
      %add3A_410 = arith.addf %add3A_403, %mul3A_409 : vector<16xf32>
      %mul3A_411 = arith.mulf %add3A_393, %add3A_410 : vector<16xf32>
      %add3A_412 = arith.addf %add3A_376, %mul3A_411 : vector<16xf32>
      %get3A_413 = arith.index_cast %mul3A_192 : i32 to index
      %get3A_414 = arith.constant 96 : index
      %get3A_415 = tpu.vector_load %arg20[%get3A_413, %get3A_414] {strides = array<i32>} : memref<128x128xf32, #tpu.memory_space<vmem>>, vector<16xf32>,
      %get3A_416 = arith.index_cast %mul3A_192 : i32 to index
      %get3A_417 = arith.constant 96 : index
      %get3A_418 = tpu.vector_load %arg18[%get3A_416, %get3A_417] {strides = array<i32>} : memref<128x128xf32, #tpu.memory_space<vmem>>, vector<16xf32>,
      %mul3A_419 = arith.constant 1.562500e-02 : f32
      %mul3A_420 = vector.broadcast %mul3A_419 : f32 to vector<16xf32>
      %mul3A_421 = arith.mulf %get3A_418, %mul3A_420 : vector<16xf32>
      %add3A_422 = arith.addf %get3A_415, %mul3A_421 : vector<16xf32>
      %get3A_423 = arith.index_cast %mul3A_192 : i32 to index
      %get3A_424 = arith.constant 96 : index
      %get3A_425 = tpu.vector_load %arg19[%get3A_423, %get3A_424] {strides = array<i32>} : memref<128x128xf32, #tpu.memory_space<vmem>>, vector<16xf32>,
      %mul3A_426 = arith.constant 3.125000e-02 : f32
      %mul3A_427 = vector.broadcast %mul3A_426 : f32 to vector<16xf32>
      %mul3A_428 = arith.mulf %get3A_425, %mul3A_427 : vector<16xf32>
      %add3A_429 = arith.addf %add3A_422, %mul3A_428 : vector<16xf32>
      %get3A_430 = arith.index_cast %add3A_196 : i32 to index
      %get3A_431 = arith.constant 96 : index
      %get3A_432 = tpu.vector_load %arg20[%get3A_430, %get3A_431] {strides = array<i32>} : memref<128x128xf32, #tpu.memory_space<vmem>>, vector<16xf32>,
      %get3A_433 = arith.index_cast %add3A_196 : i32 to index
      %get3A_434 = arith.constant 96 : index
      %get3A_435 = tpu.vector_load %arg18[%get3A_433, %get3A_434] {strides = array<i32>} : memref<128x128xf32, #tpu.memory_space<vmem>>, vector<16xf32>,
      %mul3A_436 = arith.constant 1.562500e-02 : f32
      %mul3A_437 = vector.broadcast %mul3A_436 : f32 to vector<16xf32>
      %mul3A_438 = arith.mulf %get3A_435, %mul3A_437 : vector<16xf32>
      %add3A_439 = arith.addf %get3A_432, %mul3A_438 : vector<16xf32>
      %get3A_440 = arith.index_cast %add3A_196 : i32 to index
      %get3A_441 = arith.constant 96 : index
      %get3A_442 = tpu.vector_load %arg19[%get3A_440, %get3A_441] {strides = array<i32>} : memref<128x128xf32, #tpu.memory_space<vmem>>, vector<16xf32>,
      %mul3A_443 = arith.constant 3.125000e-02 : f32
      %mul3A_444 = vector.broadcast %mul3A_443 : f32 to vector<16xf32>
      %mul3A_445 = arith.mulf %get3A_442, %mul3A_444 : vector<16xf32>
      %add3A_446 = arith.addf %add3A_439, %mul3A_445 : vector<16xf32>
      %mul3A_447 = arith.mulf %add3A_429, %add3A_446 : vector<16xf32>
      %add3A_448 = arith.addf %add3A_412, %mul3A_447 : vector<16xf32>
      %get3A_449 = arith.index_cast %mul3A_192 : i32 to index
      %get3A_450 = arith.constant 112 : index
      %get3A_451 = tpu.vector_load %arg20[%get3A_449, %get3A_450] {strides = array<i32>} : memref<128x128xf32, #tpu.memory_space<vmem>>, vector<16xf32>,
      %get3A_452 = arith.index_cast %mul3A_192 : i32 to index
      %get3A_453 = arith.constant 112 : index
      %get3A_454 = tpu.vector_load %arg18[%get3A_452, %get3A_453] {strides = array<i32>} : memref<128x128xf32, #tpu.memory_space<vmem>>, vector<16xf32>,
      %mul3A_455 = arith.constant 1.562500e-02 : f32
      %mul3A_456 = vector.broadcast %mul3A_455 : f32 to vector<16xf32>
      %mul3A_457 = arith.mulf %get3A_454, %mul3A_456 : vector<16xf32>
      %add3A_458 = arith.addf %get3A_451, %mul3A_457 : vector<16xf32>
      %get3A_459 = arith.index_cast %mul3A_192 : i32 to index
      %get3A_460 = arith.constant 112 : index
      %get3A_461 = tpu.vector_load %arg19[%get3A_459, %get3A_460] {strides = array<i32>} : memref<128x128xf32, #tpu.memory_space<vmem>>, vector<16xf32>,
      %mul3A_462 = arith.constant 3.125000e-02 : f32
      %mul3A_463 = vector.broadcast %mul3A_462 : f32 to vector<16xf32>
      %mul3A_464 = arith.mulf %get3A_461, %mul3A_463 : vector<16xf32>
      %add3A_465 = arith.addf %add3A_458, %mul3A_464 : vector<16xf32>
      %get3A_466 = arith.index_cast %add3A_196 : i32 to index
      %get3A_467 = arith.constant 112 : index
      %get3A_468 = tpu.vector_load %arg20[%get3A_466, %get3A_467] {strides = array<i32>} : memref<128x128xf32, #tpu.memory_space<vmem>>, vector<16xf32>,
      %get3A_469 = arith.index_cast %add3A_196 : i32 to index
      %get3A_470 = arith.constant 112 : index
      %get3A_471 = tpu.vector_load %arg18[%get3A_469, %get3A_470] {strides = array<i32>} : memref<128x128xf32, #tpu.memory_space<vmem>>, vector<16xf32>,
      %mul3A_472 = arith.constant 1.562500e-02 : f32
      %mul3A_473 = vector.broadcast %mul3A_472 : f32 to vector<16xf32>
      %mul3A_474 = arith.mulf %get3A_471, %mul3A_473 : vector<16xf32>
      %add3A_475 = arith.addf %get3A_468, %mul3A_474 : vector<16xf32>
      %get3A_476 = arith.index_cast %add3A_196 : i32 to index
      %get3A_477 = arith.constant 112 : index
      %get3A_478 = tpu.vector_load %arg19[%get3A_476, %get3A_477] {strides = array<i32>} : memref<128x128xf32, #tpu.memory_space<vmem>>, vector<16xf32>,
      %mul3A_479 = arith.constant 3.125000e-02 : f32
      %mul3A_480 = vector.broadcast %mul3A_479 : f32 to vector<16xf32>
      %mul3A_481 = arith.mulf %get3A_478, %mul3A_480 : vector<16xf32>
      %add3A_482 = arith.addf %add3A_475, %mul3A_481 : vector<16xf32>
      %mul3A_483 = arith.mulf %add3A_465, %add3A_482 : vector<16xf32>
      %add3A_484 = arith.addf %add3A_448, %mul3A_483 : vector<16xf32>
      %mul3A_485 = arith.constant 16 : i32
      %mul3A_486 = arith.muli %scan3A_189, %mul3A_485 : i32
      %swap3A = arith.index_cast %mul3A_486 : i32 to index
      %swap3A_487 = tpu.vector_load %arg22[%swap3A] {strides = array<i32>} : memref<1024xf32, #tpu.memory_space<vmem>>, vector<16xf32>,
      tpu.vector_store %arg22[%swap3A], %add3A_484 {strides = array<i32>} : memref<1024xf32, #tpu.memory_space<vmem>>, vector<16xf32>,
      %scan3A_488 = arith.constant 0 : i32
      scf.yield %scan3A_488 : i32
    }
    %scan3A_172 = arith.constant 64 : i32
    %scan3A_173 = arith.constant 0 : i32
    %scan3A_174 = arith.constant 0 : i32
    %scan3A_175 = arith.constant 4 : i32
    %scan3A_176 = arith.addi %scan3A_174, %scan3A_175 : i32
    %scan3A_177 = arith.constant 1 : i32
    %scan3A_178 = scf.for %scan3A_189 = %scan3A_174 to %scan3A_176 step %scan3A_177 iter_args(%scan3A_190 = %scan3A_173) -> (i32)  : i32 {
      %mul3A_191 = arith.constant 16 : i32
      %mul3A_192 = arith.muli %scan3A_189, %mul3A_191 : i32
      %iota3A = tpu.iota {dimensions = array<i32: 0>} : vector<16xi32>
      %add3A_193 = vector.broadcast %mul3A_192 : i32 to vector<16xi32>
      %add3A_194 = arith.addi %add3A_193, %iota3A : vector<16xi32>
      %broadcast_in_dim3A = arith.constant 0.000000e+00 : f32
      %broadcast_in_dim3A_195 = vector.broadcast %broadcast_in_dim3A : f32 to vector<16xf32>
      %mul3A_196 = arith.constant 16 : i32
      %mul3A_197 = vector.broadcast %mul3A_196 : i32 to vector<16xi32>
      %mul3A_198 = arith.muli %add3A_194, %mul3A_197 : vector<16xi32>
      %add3A_199 = arith.constant 0 : i32
      %add3A_200 = vector.broadcast %add3A_199 : i32 to vector<16xi32>
      %add3A_201 = arith.addi %mul3A_198, %add3A_200 : vector<16xi32>
      %gather3A = tpu.vector_load_idx %arg22[%add3A_201] : memref<1024xf32, #tpu.memory_space<vmem>>[vector<16xi32>], vector<16xf32>,
      %add3A_202 = arith.addf %broadcast_in_dim3A_195, %gather3A : vector<16xf32>
      %mul3A_203 = arith.constant 16 : i32
      %mul3A_204 = vector.broadcast %mul3A_203 : i32 to vector<16xi32>
      %mul3A_205 = arith.muli %add3A_194, %mul3A_204 : vector<16xi32>
      %add3A_206 = arith.constant 1 : i32
      %add3A_207 = vector.broadcast %add3A_206 : i32 to vector<16xi32>
      %add3A_208 = arith.addi %mul3A_205, %add3A_207 : vector<16xi32>
      %gather3A_209 = tpu.vector_load_idx %arg22[%add3A_208] : memref<1024xf32, #tpu.memory_space<vmem>>[vector<16xi32>], vector<16xf32>,
      %add3A_210 = arith.addf %add3A_202, %gather3A_209 : vector<16xf32>
      %mul3A_211 = arith.constant 16 : i32
      %mul3A_212 = vector.broadcast %mul3A_211 : i32 to vector<16xi32>
      %mul3A_213 = arith.muli %add3A_194, %mul3A_212 : vector<16xi32>
      %add3A_214 = arith.constant 2 : i32
      %add3A_215 = vector.broadcast %add3A_214 : i32 to vector<16xi32>
      %add3A_216 = arith.addi %mul3A_213, %add3A_215 : vector<16xi32>
      %gather3A_217 = tpu.vector_load_idx %arg22[%add3A_216] : memref<1024xf32, #tpu.memory_space<vmem>>[vector<16xi32>], vector<16xf32>,
      %add3A_218 = arith.addf %add3A_210, %gather3A_217 : vector<16xf32>
      %mul3A_219 = arith.constant 16 : i32
      %mul3A_220 = vector.broadcast %mul3A_219 : i32 to vector<16xi32>
      %mul3A_221 = arith.muli %add3A_194, %mul3A_220 : vector<16xi32>
      %add3A_222 = arith.constant 3 : i32
      %add3A_223 = vector.broadcast %add3A_222 : i32 to vector<16xi32>
      %add3A_224 = arith.addi %mul3A_221, %add3A_223 : vector<16xi32>
      %gather3A_225 = tpu.vector_load_idx %arg22[%add3A_224] : memref<1024xf32, #tpu.memory_space<vmem>>[vector<16xi32>], vector<16xf32>,
      %add3A_226 = arith.addf %add3A_218, %gather3A_225 : vector<16xf32>
      %mul3A_227 = arith.constant 16 : i32
      %mul3A_228 = vector.broadcast %mul3A_227 : i32 to vector<16xi32>
      %mul3A_229 = arith.muli %add3A_194, %mul3A_228 : vector<16xi32>
      %add3A_230 = arith.constant 4 : i32
      %add3A_231 = vector.broadcast %add3A_230 : i32 to vector<16xi32>
      %add3A_232 = arith.addi %mul3A_229, %add3A_231 : vector<16xi32>
      %gather3A_233 = tpu.vector_load_idx %arg22[%add3A_232] : memref<1024xf32, #tpu.memory_space<vmem>>[vector<16xi32>], vector<16xf32>,
      %add3A_234 = arith.addf %add3A_226, %gather3A_233 : vector<16xf32>
      %mul3A_235 = arith.constant 16 : i32
      %mul3A_236 = vector.broadcast %mul3A_235 : i32 to vector<16xi32>
      %mul3A_237 = arith.muli %add3A_194, %mul3A_236 : vector<16xi32>
      %add3A_238 = arith.constant 5 : i32
      %add3A_239 = vector.broadcast %add3A_238 : i32 to vector<16xi32>
      %add3A_240 = arith.addi %mul3A_237, %add3A_239 : vector<16xi32>
      %gather3A_241 = tpu.vector_load_idx %arg22[%add3A_240] : memref<1024xf32, #tpu.memory_space<vmem>>[vector<16xi32>], vector<16xf32>,
      %add3A_242 = arith.addf %add3A_234, %gather3A_241 : vector<16xf32>
      %mul3A_243 = arith.constant 16 : i32
      %mul3A_244 = vector.broadcast %mul3A_243 : i32 to vector<16xi32>
      %mul3A_245 = arith.muli %add3A_194, %mul3A_244 : vector<16xi32>
      %add3A_246 = arith.constant 6 : i32
      %add3A_247 = vector.broadcast %add3A_246 : i32 to vector<16xi32>
      %add3A_248 = arith.addi %mul3A_245, %add3A_247 : vector<16xi32>
      %gather3A_249 = tpu.vector_load_idx %arg22[%add3A_248] : memref<1024xf32, #tpu.memory_space<vmem>>[vector<16xi32>], vector<16xf32>,
      %add3A_250 = arith.addf %add3A_242, %gather3A_249 : vector<16xf32>
      %mul3A_251 = arith.constant 16 : i32
      %mul3A_252 = vector.broadcast %mul3A_251 : i32 to vector<16xi32>
      %mul3A_253 = arith.muli %add3A_194, %mul3A_252 : vector<16xi32>
      %add3A_254 = arith.constant 7 : i32
      %add3A_255 = vector.broadcast %add3A_254 : i32 to vector<16xi32>
      %add3A_256 = arith.addi %mul3A_253, %add3A_255 : vector<16xi32>
      %gather3A_257 = tpu.vector_load_idx %arg22[%add3A_256] : memref<1024xf32, #tpu.memory_space<vmem>>[vector<16xi32>], vector<16xf32>,
      %add3A_258 = arith.addf %add3A_250, %gather3A_257 : vector<16xf32>
      %mul3A_259 = arith.constant 16 : i32
      %mul3A_260 = vector.broadcast %mul3A_259 : i32 to vector<16xi32>
      %mul3A_261 = arith.muli %add3A_194, %mul3A_260 : vector<16xi32>
      %add3A_262 = arith.constant 8 : i32
      %add3A_263 = vector.broadcast %add3A_262 : i32 to vector<16xi32>
      %add3A_264 = arith.addi %mul3A_261, %add3A_263 : vector<16xi32>
      %gather3A_265 = tpu.vector_load_idx %arg22[%add3A_264] : memref<1024xf32, #tpu.memory_space<vmem>>[vector<16xi32>], vector<16xf32>,
      %add3A_266 = arith.addf %add3A_258, %gather3A_265 : vector<16xf32>
      %mul3A_267 = arith.constant 16 : i32
      %mul3A_268 = vector.broadcast %mul3A_267 : i32 to vector<16xi32>
      %mul3A_269 = arith.muli %add3A_194, %mul3A_268 : vector<16xi32>
      %add3A_270 = arith.constant 9 : i32
      %add3A_271 = vector.broadcast %add3A_270 : i32 to vector<16xi32>
      %add3A_272 = arith.addi %mul3A_269, %add3A_271 : vector<16xi32>
      %gather3A_273 = tpu.vector_load_idx %arg22[%add3A_272] : memref<1024xf32, #tpu.memory_space<vmem>>[vector<16xi32>], vector<16xf32>,
      %add3A_274 = arith.addf %add3A_266, %gather3A_273 : vector<16xf32>
      %mul3A_275 = arith.constant 16 : i32
      %mul3A_276 = vector.broadcast %mul3A_275 : i32 to vector<16xi32>
      %mul3A_277 = arith.muli %add3A_194, %mul3A_276 : vector<16xi32>
      %add3A_278 = arith.constant 10 : i32
      %add3A_279 = vector.broadcast %add3A_278 : i32 to vector<16xi32>
      %add3A_280 = arith.addi %mul3A_277, %add3A_279 : vector<16xi32>
      %gather3A_281 = tpu.vector_load_idx %arg22[%add3A_280] : memref<1024xf32, #tpu.memory_space<vmem>>[vector<16xi32>], vector<16xf32>,
      %add3A_282 = arith.addf %add3A_274, %gather3A_281 : vector<16xf32>
      %mul3A_283 = arith.constant 16 : i32
      %mul3A_284 = vector.broadcast %mul3A_283 : i32 to vector<16xi32>
      %mul3A_285 = arith.muli %add3A_194, %mul3A_284 : vector<16xi32>
      %add3A_286 = arith.constant 11 : i32
      %add3A_287 = vector.broadcast %add3A_286 : i32 to vector<16xi32>
      %add3A_288 = arith.addi %mul3A_285, %add3A_287 : vector<16xi32>
      %gather3A_289 = tpu.vector_load_idx %arg22[%add3A_288] : memref<1024xf32, #tpu.memory_space<vmem>>[vector<16xi32>], vector<16xf32>,
      %add3A_290 = arith.addf %add3A_282, %gather3A_289 : vector<16xf32>
      %mul3A_291 = arith.constant 16 : i32
      %mul3A_292 = vector.broadcast %mul3A_291 : i32 to vector<16xi32>
      %mul3A_293 = arith.muli %add3A_194, %mul3A_292 : vector<16xi32>
      %add3A_294 = arith.constant 12 : i32
      %add3A_295 = vector.broadcast %add3A_294 : i32 to vector<16xi32>
      %add3A_296 = arith.addi %mul3A_293, %add3A_295 : vector<16xi32>
      %gather3A_297 = tpu.vector_load_idx %arg22[%add3A_296] : memref<1024xf32, #tpu.memory_space<vmem>>[vector<16xi32>], vector<16xf32>,
      %add3A_298 = arith.addf %add3A_290, %gather3A_297 : vector<16xf32>
      %mul3A_299 = arith.constant 16 : i32
      %mul3A_300 = vector.broadcast %mul3A_299 : i32 to vector<16xi32>
      %mul3A_301 = arith.muli %add3A_194, %mul3A_300 : vector<16xi32>
      %add3A_302 = arith.constant 13 : i32
      %add3A_303 = vector.broadcast %add3A_302 : i32 to vector<16xi32>
      %add3A_304 = arith.addi %mul3A_301, %add3A_303 : vector<16xi32>
      %gather3A_305 = tpu.vector_load_idx %arg22[%add3A_304] : memref<1024xf32, #tpu.memory_space<vmem>>[vector<16xi32>], vector<16xf32>,
      %add3A_306 = arith.addf %add3A_298, %gather3A_305 : vector<16xf32>
      %mul3A_307 = arith.constant 16 : i32
      %mul3A_308 = vector.broadcast %mul3A_307 : i32 to vector<16xi32>
      %mul3A_309 = arith.muli %add3A_194, %mul3A_308 : vector<16xi32>
      %add3A_310 = arith.constant 14 : i32
      %add3A_311 = vector.broadcast %add3A_310 : i32 to vector<16xi32>
      %add3A_312 = arith.addi %mul3A_309, %add3A_311 : vector<16xi32>
      %gather3A_313 = tpu.vector_load_idx %arg22[%add3A_312] : memref<1024xf32, #tpu.memory_space<vmem>>[vector<16xi32>], vector<16xf32>,
      %add3A_314 = arith.addf %add3A_306, %gather3A_313 : vector<16xf32>
      %mul3A_315 = arith.constant 16 : i32
      %mul3A_316 = vector.broadcast %mul3A_315 : i32 to vector<16xi32>
      %mul3A_317 = arith.muli %add3A_194, %mul3A_316 : vector<16xi32>
      %add3A_318 = arith.constant 15 : i32
      %add3A_319 = vector.broadcast %add3A_318 : i32 to vector<16xi32>
      %add3A_320 = arith.addi %mul3A_317, %add3A_319 : vector<16xi32>
      %gather3A_321 = tpu.vector_load_idx %arg22[%add3A_320] : memref<1024xf32, #tpu.memory_space<vmem>>[vector<16xi32>], vector<16xf32>,
      %add3A_322 = arith.addf %add3A_314, %gather3A_321 : vector<16xf32>
      %mul3A_323 = arith.constant 16 : i32
      %mul3A_324 = arith.muli %scan3A_189, %mul3A_323 : i32
      %add3A_325 = arith.constant 64 : i32
      %add3A_326 = arith.addi %add3A_325, %mul3A_324 : i32
      %swap3A = arith.index_cast %add3A_326 : i32 to index
      %swap3A_327 = tpu.vector_load %arg23[%swap3A] {strides = array<i32>} : memref<128xf32, #tpu.memory_space<vmem>>, vector<16xf32>,
      tpu.vector_store %arg23[%swap3A], %add3A_322 {strides = array<i32>} : memref<128xf32, #tpu.memory_space<vmem>>, vector<16xf32>,
      %scan3A_328 = arith.constant 0 : i32
      scf.yield %scan3A_328 : i32
    }
    %scan3A_179 = arith.constant 4 : i32
    %scan3A_180 = arith.constant 0 : i32
    %scan3A_181 = arith.constant 0 : i32
    %scan3A_182 = arith.constant 8 : i32
    %scan3A_183 = arith.addi %scan3A_181, %scan3A_182 : i32
    %scan3A_184 = arith.constant 1 : i32
    %scan3A_185 = scf.for %scan3A_189 = %scan3A_181 to %scan3A_183 step %scan3A_184 iter_args(%scan3A_190 = %scan3A_180) -> (i32)  : i32 {
      %mul3A_191 = arith.constant 16 : i32
      %mul3A_192 = arith.muli %scan3A_189, %mul3A_191 : i32
      %iota3A = tpu.iota {dimensions = array<i32: 0>} : vector<16xi32>
      %add3A_193 = vector.broadcast %mul3A_192 : i32 to vector<16xi32>
      %add3A_194 = arith.addi %add3A_193, %iota3A : vector<16xi32>
      %mul3A_195 = arith.constant 2 : i32
      %mul3A_196 = vector.broadcast %mul3A_195 : i32 to vector<16xi32>
      %mul3A_197 = arith.muli %mul3A_196, %add3A_194 : vector<16xi32>
      %add3A_198 = arith.constant 1 : i32
      %add3A_199 = vector.broadcast %add3A_198 : i32 to vector<16xi32>
      %add3A_200 = arith.addi %mul3A_197, %add3A_199 : vector<16xi32>
      %gather3A = tpu.vector_load_idx %arg21[%add3A_200] : memref<256xf32, #tpu.memory_space<vmem>>[vector<16xi32>], vector<16xf32>,
      %mul3A_201 = arith.constant 16 : i32
      %mul3A_202 = arith.muli %scan3A_189, %mul3A_201 : i32
      %get3A = arith.index_cast %mul3A_202 : i32 to index
      %get3A_203 = tpu.vector_load %arg23[%get3A] {strides = array<i32>} : memref<128xf32, #tpu.memory_space<vmem>>, vector<16xf32>,
      %add3A_204 = arith.addf %get3A_203, %gather3A : vector<16xf32>
      %mul3A_205 = arith.constant 16 : i32
      %mul3A_206 = arith.muli %scan3A_189, %mul3A_205 : i32
      %swap3A = arith.index_cast %mul3A_206 : i32 to index
      %swap3A_207 = tpu.vector_load %arg23[%swap3A] {strides = array<i32>} : memref<128xf32, #tpu.memory_space<vmem>>, vector<16xf32>,
      tpu.vector_store %arg23[%swap3A], %add3A_204 {strides = array<i32>} : memref<128xf32, #tpu.memory_space<vmem>>, vector<16xf32>,
      %scan3A_208 = arith.constant 0 : i32
      scf.yield %scan3A_208 : i32
    }
    %scan3A_186 = arith.constant 8 : i32
    %mul3A_187 = arith.constant 128 : i32
    %mul3A_188 = arith.muli %add3A, %mul3A_187 : i32
    "tpu.region"() ({
      %run_scoped3A = tpu.sem_alloc : memref<!tpu.dma_semaphore, #tpu.memory_space<semaphore_mem>>
      %dma_start3A_189 = tpu.memref_slice %arg9[%mul3A_188] : memref<4096xf32, #tpu.memory_space<hbm>> -> memref<128xf32, #tpu.memory_space<hbm>>
      %dma_start3A_190 = tpu.memref_slice %arg9[%mul3A_188] : memref<4096xf32, #tpu.memory_space<hbm>> -> memref<128xf32, #tpu.memory_space<hbm>>
      tpu.enqueue_dma source(%arg23 : memref<128xf32, #tpu.memory_space<vmem>>) target(%dma_start3A_190 : memref<128xf32, #tpu.memory_space<hbm>>) target_semaphore(%run_scoped3A : memref<!tpu.dma_semaphore, #tpu.memory_space<semaphore_mem>>)
      %dma_wait3A_191 = tpu.memref_slice %arg9[%mul3A_188] : memref<4096xf32, #tpu.memory_space<hbm>> -> memref<128xf32, #tpu.memory_space<hbm>>
      %dma_wait3A_192 = tpu.memref_slice %arg9[%mul3A_188] : memref<4096xf32, #tpu.memory_space<hbm>> -> memref<128xf32, #tpu.memory_space<hbm>>
      tpu.wait_dma2 semaphore(%run_scoped3A : memref<!tpu.dma_semaphore, #tpu.memory_space<semaphore_mem>>) src(%arg23 : memref<128xf32, #tpu.memory_space<vmem>>) dst(%dma_wait3A_192 : memref<128xf32, #tpu.memory_space<hbm>>)
      tpu.yield
    }) : () -> ()
    return
  }
}

</mosaic_0001>

<sc_bundles>
// kernel: _run.3.cloned.1.call-start
scs
__scs_entry_jumppad:
0x0: {  	(pc) =	sbr.rel $0x88, $3  }
0x1: {  	(tag) =	ssettag $0x0;
	lr =	simm.s32 $0x1  }
0x2: {  	[smem:$0x3F9A] =	sst lr;
	_ =	strace $0xD0000000  }
0x3: {  	_ = 	snop  }
0x4: {  	_ = 	snop  }
0x5: {  	_ = 	snop  }
0x6: {  	_ = 	snop  }
0x7: {  	_ = 	snop  }
__scs_overlays_trampoline_lowered:
0x8: {  	[smem:$0x3FA9] =	sst s0  }
0x9: {  	[smem:$0x3FAA] =	sst s1  }
0xa: {  	[smem:$0x3FAB] =	sst s2  }
0xb: {  	[smem:$0x3FAC] =	sst s3  }
0xc: {  	[smem:$0x3FAD] =	sst s4  }
0xd: {  	[smem:$0x3FAE] =	sst s5  }
0xe: {  	[smem:$0x3FAF] =	sst s6  }
0xf: {  	[smem:$0x3FB0] =	sst s7  }
0x10: {  	[smem:$0x3FB1] =	sst s8  }
0x11: {  	[smem:$0x3FB2] =	sst s9;
	s0 =	simm.s32 @!p0 $0x0  }
0x12: {  	s1 =	sld [smem:$0x3F98];
	s0 =	simm.s32 @p0 $0x1  }
0x13: {  	[smem:$0x3FB3] =	sst s0;
	s0 =	simm.s32 @!p1 $0x0  }
0x14: {  	s2 =	sld [smem:$0x3F97];
	s0 =	simm.s32 @p1 $0x1  }
0x15: {  	[smem:$0x3FB4] =	sst s0;
	s0 =	simm.s32 @!p2 $0x0  }
0x16: {  	s3 =	sld [smem:$0x3FDB];
	s0 =	simm.s32 @p2 $0x1  }
0x17: {  	s4 =	simm.s32 $0x1BF5;
	[smem:$0x3FB6] =	sst s0  }
0x18: {  	s0 =	sld [smem:$0x3F99];
	_ =	swait.ge [sflag:s4], $0x0  }
0x19: {  	s7 =	sld [smem:$0x3F9A]  }
0x1a: {  	s8 =	sadd.s32 $0xFFFFE003, lr  }
0x1b: {  	s9 =	sadd.s32 $0xFFFFFEF7, lr;
	s5 =	simm.s32 $0xFFFFFFFF;
	p2 =	slt.u32 s8, $0xFFFFF086  }
0x1c: {  	p1 =	slt.u32 s9, $0xF7A;
	s5 =	simm.s32 @!p2 $0x0  }
0x1d: {  	s5 =	simm.s32 @p1 $0x1;
	p0 =	seq.s32 s7, s2  }
0x1e: {  	s7 =	smul.u32 @!p0 $0xF7A, s2;
	p2 =	seq.s32 @!p0 s5, $0x0  }
0x1f: {  	s9 =	smul.u32 $0xF7A, s1;
	s8 =	simm.s32 @!p0 $0x1BF5;
	p2 =	por !p2, p0  }
0x20: {  	[sflag:s8] =	ssyncset.s32 @!p0 $0xFFFFF086;
	s6 =	sadd.s32 @!p0 s3, s7;
	s7 =	simm.s32 @!p0 $0x108  }
0x21: {  	s3 =	sadd.s32 s3, s9;
	s6 =	sadd.s32 @!p0 $0x88, s6;
	s7 =	simm.s32 @p2 $0x1082  }
0x22: {  	[simem:s7], [sflag:s8] =	dma.local @!p0 [hbm:s6], $0xF7A  }
0x23: {  	s9 =	sor.u32 $0xD0000000, s2;
	s6 =	simm.s32 $0x108;
	_ =	swait.ge @!p0 [sflag:s8], $0x0  }
0x24: {  	s3 =	sadd.s32 $0x88, s3;
	s6 =	simm.s32 @!p1 $0x1082;
	[sflag:s4] =	ssyncset.s32 $0xFFFFF086  }
0x25: {  	[simem:s6], [sflag:s4] =	dma.local [hbm:s3], $0xF7A  }
0x26: {  	[smem:$0x3F9A] =	sst s1;
	(tag) =	ssettag s2;
	_ =	strace s9  }
0x27: {  	s1 =	sld [smem:$0x3FAA]  }
0x28: {  	s2 =	sld [smem:$0x3FAB]  }
0x29: {  	s4 =	sld [smem:$0x3FAD]  }
0x2a: {  	p0 =	seq.s32 s5, $0x0;
	s5 =	sld [smem:$0x3FAE]  }
0x2b: {  	s6 =	sld [smem:$0x3FAF]  }
0x2c: {  	s7 =	sld [smem:$0x3FB0]  }
0x2d: {  	s3 =	simm.s32 $0x108;
	s8 =	sld [smem:$0x3FB1]  }
0x2e: {  	s3 =	simm.s32 @!p0 $0x1082;
	s9 =	sld [smem:$0x3FB2]  }
0x2f: {  	lr =	sadd.s32 s0, s3;
	s0 =	sld [smem:$0x3FA9]  }
0x30: {  	s3 =	sld [smem:$0x3FAC]  }
0x31: {  	[smem:$0x3FB5] =	sst s10  }
0x32: {  	s10 =	sld [smem:$0x3FB3];
	_ =	sdelay $0x3  }
0x33: {  	p0 =	seq.s32 s10, $0x1;
	s10 =	sld [smem:$0x3FB5];
	_ =	sdelay $0x3  }
0x34: {  	[smem:$0x3FB5] =	sst s10  }
0x35: {  	s10 =	sld [smem:$0x3FB4];
	_ =	sdelay $0x3  }
0x36: {  	p1 =	seq.s32 s10, $0x1;
	s10 =	sld [smem:$0x3FB5];
	_ =	sdelay $0x3  }
0x37: {  	[smem:$0x3FB5] =	sst s10  }
0x38: {  	s10 =	sld [smem:$0x3FB6]  }
0x39: {  	_ = 	snop;
	(pc) =	sbr.ind lr, $3  }
0x3a: {  	_ = 	snop  }
0x3b: {  	_ = 	snop  }
0x3c: {  	p2 =	seq.s32 s10, $0x1;
	s10 =	sld [smem:$0x3FB5]  }
0x3d: {  	_ =	shalt  }
0x3e: {  	_ =	shalt  }
0x3f: {  	_ =	shalt  }
0x40: {  	_ =	shalt  }
0x41: {  	_ =	shalt  }
0x42: {  	_ =	shalt  }
0x43: {  	_ =	shalt  }
0x44: {  	_ =	shalt  }
0x45: {  	_ =	shalt  }
0x46: {  	_ =	shalt  }
0x47: {  	_ =	shalt  }
0x48: {  	_ =	shalt  }
0x49: {  	_ =	shalt  }
0x4a: {  	_ =	shalt  }
0x4b: {  	_ =	shalt  }
0x4c: {  	_ =	shalt  }
0x4d: {  	_ =	shalt  }
0x4e: {  	_ =	shalt  }
0x4f: {  	_ =	shalt  }
0x50: {  	_ =	shalt  }
0x51: {  	_ =	shalt  }
0x52: {  	_ =	shalt  }
0x53: {  	_ =	shalt  }
0x54: {  	_ =	shalt  }
0x55: {  	_ =	shalt  }
0x56: {  	_ =	shalt  }
0x57: {  	_ =	shalt  }
0x58: {  	_ =	shalt  }
0x59: {  	_ =	shalt  }
0x5a: {  	_ =	shalt  }
0x5b: {  	_ =	shalt  }
0x5c: {  	_ =	shalt  }
0x5d: {  	_ =	shalt  }
0x5e: {  	_ =	shalt  }
0x5f: {  	_ =	shalt  }
0x60: {  	_ =	shalt  }
0x61: {  	_ =	shalt  }
0x62: {  	_ =	shalt  }
0x63: {  	_ =	shalt  }
0x64: {  	_ =	shalt  }
0x65: {  	_ =	shalt  }
0x66: {  	_ =	shalt  }
0x67: {  	_ =	shalt  }
0x68: {  	_ =	shalt  }
0x69: {  	_ =	shalt  }
0x6a: {  	_ =	shalt  }
0x6b: {  	_ =	shalt  }
0x6c: {  	_ =	shalt  }
0x6d: {  	_ =	shalt  }
0x6e: {  	_ =	shalt  }
0x6f: {  	_ =	shalt  }
0x70: {  	_ =	shalt  }
0x71: {  	_ =	shalt  }
0x72: {  	_ =	shalt  }
0x73: {  	_ =	shalt  }
0x74: {  	_ =	shalt  }
0x75: {  	_ =	shalt  }
0x76: {  	_ =	shalt  }
0x77: {  	_ =	shalt  }
0x78: {  	_ =	shalt  }
0x79: {  	_ =	shalt  }
0x7a: {  	_ =	shalt  }
0x7b: {  	_ =	shalt  }
0x7c: {  	_ =	shalt  }
0x7d: {  	_ =	shalt  }
0x7e: {  	_ =	shalt  }
0x7f: {  	_ =	shalt  }
0x80: {  	_ =	shalt  }
0x81: {  	_ =	shalt  }
0x82: {  	_ =	shalt  }
0x83: {  	_ =	shalt  }
0x84: {  	_ =	shalt  }
0x85: {  	_ =	shalt  }
0x86: {  	_ =	shalt  }
0x87: {  	_ =	shalt  }
.Lfunc_end0:
.L_simem_size_0:
called_computation_lowered:
.L_overlay_start_0:
0x88: {  	s2 =	sld [smem:$0x3FD9]  }
0x89: {  	s3 =	sld [smem:$0x3FFE];
	_ =	sdelay $0x1  }
0x8a: {  	s1 =	srdreg.scid  }
0x8b: {  	s0 =	sand.u32 $0x1, s1  }
0x8c: {  	s18 =	sshll.u32 s0, $0xA;
	s2 =	sadd.s32 s3, s2  }
0x8d: {  	s2 =	sadd.s32 s2, s18  }
0x8e: {  	[smem:$0x3FC1] =	sst s2  }
0x8f: {  	_ = 	snop  }
0x90: {  	s2 =	sld [smem:$0x3FC9]  }
0x91: {  	s19 =	sld [smem:$0x3FC8]  }
0x92: {  	s4 =	sld [smem:$0x3FC7]  }
0x93: {  	s5 =	sld [smem:$0x3FC6]  }
0x94: {  	s6 =	sld [smem:$0x3FC5]  }
0x95: {  	s7 =	sld [smem:$0x3FC4]  }
0x96: {  	s8 =	sld [smem:$0x3FC3]  }
0x97: {  	s9 =	sld [smem:$0x3FD0];
	(tm) =	ssettm $0x1  }
0x98: {  	s10 =	sld [smem:$0x3FFB];
	_ =	sdelay $0x3  }
0x99: {  	_ =	strace s10  }
0x9a: {  	s10 =	sld [smem:$0x3FFC];
	_ =	sdelay $0x3  }
0x9b: {  	_ =	strace s10  }
0x9c: {  	s10 =	sld [smem:$0x3FFD];
	_ =	sdelay $0x3  }
0x9d: {  	_ =	strace s10  }
0x9e: {  	_ =	strace $0x8FFFFFFF  }
0x9f: {  	s20 =	sld [smem:$0x3FDB];
	_ =	sdelay $0x1  }
0xa0: {  	s11 =	simm.s32 $_scs_section_size  }
0xa1: {  	s12 =	simm.s32 $_size__tile_overlayer_lowered;
	s13 =	simm.s32 $_tile_overlayer_lowered  }
0xa2: {  	s23 =	simm.s32 $0x1BFF;
	s22 =	sshll.u32 s13, $0x1;
	s10 =	sadd.s32 s11, s20  }
0xa3: {  	s14 =	simm.s32 $0x0;
	s21 =	sshll.u32 s12, $0x1;
	s12 =	sadd.s32 s22, s10  }
0xa4: {  	[timem:s14], [sflag:s23] =	dma.local [hbm:s12], s21  }
0xa5: {  	_ =	swait.ge [sflag:s23], s21  }
0xa6: {  	s11 =	ssub.s32 $0x0, s21;
	[sflag:s23] =	ssyncset.done $0x0  }
0xa7: {  	[sflag:s23] =	ssyncadd.s32 s11;
	_ =	sdelay $0x1  }
0xa8: {  	s24 =	simm.s32 $0x1B8B  }
0xa9: {  	_ =	swait.ge [sflag:s24], $0x1  }
0xaa: {  	[sflag:s24] =	ssyncset.done $0x0  }
0xab: {  	s25 =	simm.s32 $0x1B8E;
	[sflag:s24] =	ssyncadd.s32 $0xFFFFFFFF  }
0xac: {  	s26 =	simm.s32 $execute0_lowered;
	[smem:$0x3FD2] =	sst s25  }
0xad: {  	s11 =	sshll.u32 s26, $0x1;
	_ =	strace $0x80000046;
	[dreg:$0x1] =	wrdreg $0xFFFFFFFF  }
0xae: {  	s28 =	simm.s32 $_size_execute0_lowered;
	s10 =	sadd.s32 s10, s11;
	[dreg:$0x0] =	wrdreg $0x0  }
0xaf: {  	s11 =	sshll.u32 s28, $0x1;
	[dreg:$0x2] =	wrdreg s10  }
0xb0: {  	[dreg:$0x3] =	wrdreg s11  }
0xb1: {  	[dreg:$0x4] =	wrdreg $0xC0  }
0xb2: {  	_ =	task [dreg:s14], $0x5FFFF  }
0xb3: {  	[dreg:$0x1] =	wrdreg $0xFFFFFFFF  }
0xb4: {  	[dreg:$0x0] =	wrdreg $0x60  }
0xb5: {  	[dreg:$0x2] =	wrdreg s2  }
0xb6: {  	[dreg:$0x3] =	wrdreg s19  }
0xb7: {  	[dreg:$0x4] =	wrdreg s4  }
0xb8: {  	[dreg:$0x5] =	wrdreg s5  }
0xb9: {  	[dreg:$0x6] =	wrdreg s6  }
0xba: {  	[dreg:$0x7] =	wrdreg s7  }
0xbb: {  	[dreg:$0x8] =	wrdreg s8  }
0xbc: {  	[dreg:$0x9] =	wrdreg s9  }
0xbd: {  	[dreg:$0xa] =	wrdreg $0x9  }
0xbe: {  	_ =	task.clear_ibuf [dreg:s14], $0xBFFFF;
	_ =	strace $0x90000046  }
0xbf: {  	s29 =	simm.s32 $0x9;
	_ =	strace $0x80000048  }
0xc0: {  	_ =	swait.ge [sflag:s29], $0x1  }
0xc1: {  	[sflag:s29] =	ssyncadd.s32 $0xFFFFFFFF  }
0xc2: {  	_ =	strace $0x90000048  }
0xc3: {  	_ =	sfence  }
0xc4: {  	s30 =	sld [smem:$0x0];
	_ =	sdelay $0x2  }
0xc5: {  	s31 =	sshll.u32 s1, $0xD;
	s1 =	sshrl.u32 s1, $0x2  }
0xc6: {  	s3 =	sand.u32 $0x4000, s31;
	s1 =	sadd.s32 s1, s30  }
0xc7: {  	s0 =	sor.u32 s3, s0;
	s1 =	sshll.u32 s1, $0x11  }
0xc8: {  	s0 =	sor.u32 s1, s0  }
0xc9: {  	s0 =	sadd.s32 $0x8F2B, s0  }
0xca: {  	[sflag:s0] =	ssyncadd.remote.s32 $0x1  }
0xcb: {  	_ =	sfence.sel $0xFFFF  }
0xcc: {  	[dreg:$0x0] =	wrdreg $0xFFFFFFFF;
	(pc) =	sbr.abs _section_cstart, $3  }
0xcd: {  	[dreg:$0x1] =	wrdreg $0xFFFFFFFF  }
0xce: {  	_ =	task.clear_ibuf [dreg:s14], $0x2FFFF;
	_ =	strace $0x9FFFFFFF  }
0xcf: {  	(tm) =	ssettm $0x7FFFFFFF  }
tec
execute0_lowered:
.L_overlay_start_1:
0x0: {  	(tag) =	ssettag $0x1  }
0x1: {  	s0 =	rddreg [dreg:$0x0]  }
0x2: {  	s1 =	rddreg [dreg:$0x1]  }
0x3: {  	s2 =	rddreg [dreg:$0x3]  }
0x4: {  	s5 =	rddreg [dreg:$0x5]  }
0x5: {  	s3 =	rddreg [dreg:$0x7];
	s4 =	srdreg.scid  }
0x6: {  	s6 =	stileid.u32;
	s8 =	simm.s32 $0x0;
	s12 =	simm.s32 $0x3  }
0x7: {  	s13 =	simm.s32 $0x100;
	s14 =	simm.s32 $0x13100;
	s15 =	simm.s32 $0x1  }
0x8: {  	s16 =	simm.s32 $0x1000;
	s17 =	simm.s32 $0x1100;
	s18 =	simm.s32 $0x6100  }
0x9: {  	s19 =	simm.s32 $0x2100;
	s20 =	simm.s32 $0x4100;
	s21 =	simm.s32 $0x3100  }
0xa: {  	s22 =	simm.s32 $0x5100;
	s23 =	simm.s32 $0x80;
	s24 =	simm.s32 $0x7100  }
0xb: {  	s25 =	simm.s32 $0xB100;
	s28 =	simm.s32 $0x2;
	s29 =	simm.s32 $0x13200  }
0xc: {  	s31 =	simm.s32 $0x0;
	s4 =	sand.u32 $0x1, s4;
	s6 =	sshll.u32 s6, $0x1  }
0xd: {  	[smem:$0x7FF] =	sst s8;
	s7 =	ssub.s32 $0x2, s4;
	s4 =	sor.u32 s4, s6  }
0xe: {  	_ =	strace $0x80000047;
	s26 =	sshrl.u32 s7, $0x1;
	s9 =	sshll.u32 s4, $0x5  }
0xf: {  	v1 =	vlaneseq.u32;
	s30 =	sshll.u32 s4, $0x4;
	s6 =	ssub.s32 s7, s26;
	s9 =	sadd.s32 s2, s9  }
0x10: {  	v0 =	vmul.u32 $0x10, v1;
	v1 =	vmul.u32 $0x2, v1;
	s10 =	sadd.s32 s3, s30;
	s26 =	simm.s32 $0xF100;
	s11 =	smax.u32 s6, $0x1  }
.LBB2_1:
0x11: {  	[tilespmem:s8], [sflag:$0x3] =	stream.linear.gather [hbm4b:s9+s8], $0x100, $0x38;
	[tilespmem:$0x13680] =	vst v63  }
0x12: {  	_ =	swait.ge [sflag:s12], $0x100  }
0x13: {  	[sflag:s12] =	ssyncset.done $0x0  }
0x14: {  	[sflag:s12] =	ssyncadd.s32 $0xFFFFFF00  }
0x15: {  	s2 =	rddreg [dreg:$0x2]  }
0x16: {  	[tilespmem:s14], [sflag:$0x1] =	stream.indirect.gather [hbm4b:s2+s13], $0x1, s8, s13, $0xb8;
	[tilespmem:$0x13680] =	vst v63  }
0x17: {  	_ =	swait.ge [sflag:s15], $0x100  }
0x18: {  	[sflag:s15] =	ssyncset.done $0x0  }
0x19: {  	[sflag:s15] =	ssyncadd.s32 $0xFFFFFF00  }
0x1a: {  	v2 =	vld [tilespmem:$0x0];
	_ =	sdelay $0x4  }
0x1b: {  	v2 =	vshll.u32 v2, $0x5  }
0x1c: {  	s2 =	simm.s32 $0x140;
	v2 =	vadd.s32 s8, v2  }
0x1d: {  	[tilespmem:s2+$0xFFFFFFC0] =	vst v2  }
0x1e: {  	v2 =	vld [tilespmem:$0x10];
	_ =	sdelay $0x4  }
0x1f: {  	v2 =	vshll.u32 v2, $0x5  }
0x20: {  	v2 =	vadd.s32 s8, v2  }
0x21: {  	[tilespmem:s2+$0xFFFFFFD0] =	vst v2  }
0x22: {  	v2 =	vld [tilespmem:$0x20];
	_ =	sdelay $0x4  }
0x23: {  	v2 =	vshll.u32 v2, $0x5  }
0x24: {  	v2 =	vadd.s32 s8, v2  }
0x25: {  	[tilespmem:s2+$0xFFFFFFE0] =	vst v2  }
0x26: {  	v2 =	vld [tilespmem:$0x30];
	_ =	sdelay $0x4  }
0x27: {  	v2 =	vshll.u32 v2, $0x5  }
0x28: {  	v2 =	vadd.s32 s8, v2  }
0x29: {  	[tilespmem:s2+$0xFFFFFFF0] =	vst v2  }
0x2a: {  	v2 =	vld [tilespmem:$0x40];
	_ =	sdelay $0x4  }
0x2b: {  	v2 =	vshll.u32 v2, $0x5  }
0x2c: {  	v2 =	vadd.s32 s8, v2  }
0x2d: {  	[tilespmem:s2+$0x0] =	vst v2  }
0x2e: {  	v2 =	vld [tilespmem:$0x50];
	_ =	sdelay $0x4  }
0x2f: {  	v2 =	vshll.u32 v2, $0x5  }
0x30: {  	v2 =	vadd.s32 s8, v2  }
0x31: {  	[tilespmem:s2+$0x10] =	vst v2  }
0x32: {  	v2 =	vld [tilespmem:$0x60];
	_ =	sdelay $0x4  }
0x33: {  	v2 =	vshll.u32 v2, $0x5  }
0x34: {  	v2 =	vadd.s32 s8, v2  }
0x35: {  	[tilespmem:s2+$0x20] =	vst v2  }
0x36: {  	v2 =	vld [tilespmem:$0x70];
	_ =	sdelay $0x4  }
0x37: {  	v2 =	vshll.u32 v2, $0x5  }
0x38: {  	v2 =	vadd.s32 s8, v2  }
0x39: {  	[tilespmem:s2+$0x30] =	vst v2  }
0x3a: {  	s3 =	simm.s32 $0x1;
	s4 =	simm.s32 $0x2;
	v2 =	vld [tilespmem:$0x0]  }
.LBB2_2:
0x3b: {  	p0 =	sne.s32 s4, $0x1F;
	_ =	sdelay $0x3  }
0x3c: {  	v2 =	vshll.u32 v2, $0x5  }
0x3d: {  	s2 =	sadd.s32 $0x80, s2;
	v2 =	vadd.s32 s3, v2  }
0x3e: {  	[tilespmem:s2+$0xFFFFFFC0] =	vst v2  }
0x3f: {  	v2 =	vld [tilespmem:$0x10];
	_ =	sdelay $0x4  }
0x40: {  	v2 =	vshll.u32 v2, $0x5  }
0x41: {  	v2 =	vadd.s32 s3, v2  }
0x42: {  	[tilespmem:s2+$0xFFFFFFD0] =	vst v2  }
0x43: {  	v2 =	vld [tilespmem:$0x20];
	_ =	sdelay $0x4  }
0x44: {  	v2 =	vshll.u32 v2, $0x5  }
0x45: {  	v2 =	vadd.s32 s3, v2  }
0x46: {  	[tilespmem:s2+$0xFFFFFFE0] =	vst v2  }
0x47: {  	v2 =	vld [tilespmem:$0x30];
	_ =	sdelay $0x4  }
0x48: {  	v2 =	vshll.u32 v2, $0x5  }
0x49: {  	v2 =	vadd.s32 s3, v2  }
0x4a: {  	[tilespmem:s2+$0xFFFFFFF0] =	vst v2  }
0x4b: {  	v2 =	vld [tilespmem:$0x40];
	_ =	sdelay $0x4  }
0x4c: {  	v2 =	vshll.u32 v2, $0x5  }
0x4d: {  	v2 =	vadd.s32 s3, v2  }
0x4e: {  	[tilespmem:s2+$0x0] =	vst v2  }
0x4f: {  	v2 =	vld [tilespmem:$0x50];
	_ =	sdelay $0x4  }
0x50: {  	v2 =	vshll.u32 v2, $0x5  }
0x51: {  	v2 =	vadd.s32 s3, v2  }
0x52: {  	[tilespmem:s2+$0x10] =	vst v2  }
0x53: {  	v2 =	vld [tilespmem:$0x60];
	_ =	sdelay $0x4  }
0x54: {  	v2 =	vshll.u32 v2, $0x5  }
0x55: {  	v2 =	vadd.s32 s3, v2  }
0x56: {  	[tilespmem:s2+$0x20] =	vst v2  }
0x57: {  	v2 =	vld [tilespmem:$0x70];
	_ =	sdelay $0x3  }
.Ltmp0:
0x58: {  	(pc) =	sbr.rel @p0 .LBB2_2-.Ltmp0, $4  }
0x59: {  	v2 =	vshll.u32 v2, $0x5  }
0x5a: {  	v2 =	vadd.s32 s3, v2;
	s3 =	smov.u32 s4  }
0x5b: {  	[tilespmem:s2+$0x30] =	vst v2  }
0x5c: {  	s4 =	sadd.s32 $0x1, s4;
	v2 =	vld [tilespmem:$0x0]  }
0x5d: {  	_ =	sdelay $0x3  }
0x5e: {  	v2 =	vshll.u32 v2, $0x5  }
0x5f: {  	s2 =	sadd.s32 $0x80, s2;
	v2 =	vadd.s32 s3, v2  }
0x60: {  	[tilespmem:s2+$0xFFFFFFC0] =	vst v2  }
0x61: {  	v2 =	vld [tilespmem:$0x10];
	_ =	sdelay $0x4  }
0x62: {  	v2 =	vshll.u32 v2, $0x5  }
0x63: {  	v2 =	vadd.s32 s3, v2  }
0x64: {  	[tilespmem:s2+$0xFFFFFFD0] =	vst v2  }
0x65: {  	v2 =	vld [tilespmem:$0x20];
	_ =	sdelay $0x4  }
0x66: {  	v2 =	vshll.u32 v2, $0x5  }
0x67: {  	v2 =	vadd.s32 s3, v2  }
0x68: {  	[tilespmem:s2+$0xFFFFFFE0] =	vst v2  }
0x69: {  	v2 =	vld [tilespmem:$0x30];
	_ =	sdelay $0x4  }
0x6a: {  	v2 =	vshll.u32 v2, $0x5  }
0x6b: {  	v2 =	vadd.s32 s3, v2  }
0x6c: {  	[tilespmem:s2+$0xFFFFFFF0] =	vst v2  }
0x6d: {  	v2 =	vld [tilespmem:$0x40];
	_ =	sdelay $0x4  }
0x6e: {  	v2 =	vshll.u32 v2, $0x5  }
0x6f: {  	v2 =	vadd.s32 s3, v2  }
0x70: {  	[tilespmem:s2+$0x0] =	vst v2  }
0x71: {  	v2 =	vld [tilespmem:$0x50];
	_ =	sdelay $0x4  }
0x72: {  	v2 =	vshll.u32 v2, $0x5  }
0x73: {  	v2 =	vadd.s32 s3, v2  }
0x74: {  	[tilespmem:s2+$0x10] =	vst v2  }
0x75: {  	v2 =	vld [tilespmem:$0x60];
	_ =	sdelay $0x4  }
0x76: {  	v2 =	vshll.u32 v2, $0x5  }
0x77: {  	v2 =	vadd.s32 s3, v2  }
0x78: {  	[tilespmem:s2+$0x20] =	vst v2  }
0x79: {  	v2 =	vld [tilespmem:$0x70];
	_ =	sdelay $0x4  }
0x7a: {  	v2 =	vshll.u32 v2, $0x5  }
0x7b: {  	v2 =	vadd.s32 s3, v2  }
0x7c: {  	s7 =	rddreg [dreg:$0x4];
	[tilespmem:s2+$0x30] =	vst v2  }
0x7d: {  	[tilespmem:s17], [sflag:$0x1] =	stream.indirect.gather [hbm4b:s7+s16], $0x1, s13, s16, $0xb8;
	[tilespmem:$0x13680] =	vst v63  }
0x7e: {  	_ =	swait.ge [sflag:s15], $0x1000  }
0x7f: {  	[sflag:s15] =	ssyncset.done $0x0  }
0x80: {  	[sflag:s15] =	ssyncadd.s32 $0xFFFFF000  }
0x81: {  	s2 =	simm.s32 $0x0;
	s30 =	rddreg [dreg:$0x6]  }
0x82: {  	[tilespmem:s18], [sflag:$0x1] =	stream.indirect.gather [hbm4b:s30+s16], $0x1, s17, s16, $0xb8;
	[tilespmem:$0x13680] =	vst v63  }
0x83: {  	v2 =	vld [tilespmem:s2+$0x1100]  }
0x84: {  	s3 =	simm.s32 $0x40  }
.LBB2_4:
0x85: {  	p0 =	sne.s32 s3, $0x3FC0  }
.Ltmp1:
0x86: {  	_ = 	snop;
	(pc) =	sbr.rel @p0 .LBB2_4-.Ltmp1, $4  }
0x87: {  	_ = 	snop  }
0x88: {  	s4 =	sshra.s32 s3, $0x2;
	s3 =	sadd.s32 $0x40, s3;
	v3 =	vshll.u32 v2, $0x1  }
0x89: {  	v2 =	vld [tilespmem:s4+$0x1100];
	[tilespmem:s2+$0x2100] =	vst v3;
	v3 =	vor.u32 $0x1, v3  }
0x8a: {  	[tilespmem:s2+$0x3100] =	vst v3;
	s2 =	smov.u32 s4  }
0x8b: {  	_ =	sdelay $0x2  }
0x8c: {  	v2 =	vshll.u32 v2, $0x1  }
0x8d: {  	[tilespmem:s2+$0x2100] =	vst v2;
	v2 =	vor.u32 $0x1, v2  }
0x8e: {  	[tilespmem:s2+$0x3100] =	vst v2  }
0x8f: {  	[tilespmem:s20], [sflag:$0x1] =	stream.indirect.gather [hbm4b:s5+s16], $0x1, s19, s16, $0xb8;
	[tilespmem:$0x13680] =	vst v63  }
0x90: {  	_ = 	snop  }
0x91: {  	[tilespmem:s22], [sflag:$0x1] =	stream.indirect.gather [hbm4b:s5+s16], $0x1, s21, s16, $0xb8;
	[tilespmem:$0x13680] =	vst v63  }
0x92: {  	_ =	swait.ge [sflag:s15], $0x1000  }
0x93: {  	[sflag:s15] =	ssyncset.done $0x0  }
0x94: {  	[sflag:s15] =	ssyncadd.s32 $0xFFFFF000  }
0x95: {  	_ =	swait.ge [sflag:s15], $0x1000  }
0x96: {  	[sflag:s15] =	ssyncset.done $0x0  }
0x97: {  	[sflag:s15] =	ssyncadd.s32 $0xFFFFF000  }
0x98: {  	_ =	swait.ge [sflag:s15], $0x1000  }
0x99: {  	[sflag:s15] =	ssyncset.done $0x0  }
0x9a: {  	[sflag:s15] =	ssyncadd.s32 $0xFFFFF000  }
0x9b: {  	[tilespmem:s24], [sflag:$0x1] =	stream.indirect.gather [hbm4b:s0+s23], $0x80, s20, s23, $0xb8;
	[tilespmem:$0x13680] =	vst v63  }
0x9c: {  	_ = 	snop  }
0x9d: {  	[tilespmem:s25], [sflag:$0x1] =	stream.indirect.gather [hbm4b:s1+s23], $0x80, s18, s23, $0xb8;
	[tilespmem:$0x13680] =	vst v63  }
0x9e: {  	_ =	swait.ge [sflag:s15], $0x4000  }
0x9f: {  	[sflag:s15] =	ssyncset.done $0x0  }
0xa0: {  	[sflag:s15] =	ssyncadd.s32 $0xFFFFC000  }
0xa1: {  	_ =	swait.ge [sflag:s15], $0x4000  }
0xa2: {  	[sflag:s15] =	ssyncset.done $0x0  }
0xa3: {  	[sflag:s15] =	ssyncadd.s32 $0xFFFFC000  }
0xa4: {  	[tilespmem:s26], [sflag:$0x2] =	stream.indirect.gather [hbm4b:s0+s23], $0x80, s8, s23, $0xb8;
	[tilespmem:$0x13680] =	vst v63  }
0xa5: {  	_ = 	snop  }
0xa6: {  	[tilespmem:s24], [sflag:$0x2] =	stream.indirect.gather.add.f32 [hbm:s0], $0x80, s22, s23, $0xb8;
	[tilespmem:$0x13680] =	vst v63  }
0xa7: {  	s7 =	simm.s32 $0x4180  }
0xa8: {  	[tilespmem:s24], [sflag:$0x2] =	stream.indirect.gather.add.f32 [hbm:s0], $0x80, s7, s23, $0xb8;
	[tilespmem:$0x13680] =	vst v63  }
0xa9: {  	s30 =	simm.s32 $0x5180;
	s3 =	simm.s32 $0x400;
	s2 =	simm.s32 $0x80  }
0xaa: {  	[tilespmem:s24], [sflag:$0x2] =	stream.indirect.gather.add.f32 [hbm:s0], $0x80, s30, s23, $0xb8;
	[tilespmem:$0x13680] =	vst v63  }
.LBB2_6:
0xab: {  	s4 =	sadd.s32 $0x6100, s2;
	s2 =	sshra.s32 s3, $0x2;
	p0 =	sne.s32 s3, $0x3E00  }
0xac: {  	[tilespmem:s25], [sflag:$0x2] =	stream.indirect.gather.add.f32 [hbm:s1], $0x80, s4, s23, $0xb8;
	[tilespmem:$0x13680] =	vst v63  }
.Ltmp2:
0xad: {  	_ = 	snop;
	(pc) =	sbr.rel @p0 .LBB2_6-.Ltmp2, $4  }
0xae: {  	s3 =	sadd.s32 $0x200, s3;
	s4 =	sadd.s32 $0x4100, s2  }
0xaf: {  	[tilespmem:s24], [sflag:$0x2] =	stream.indirect.gather.add.f32 [hbm:s0], $0x80, s4, s23, $0xb8;
	[tilespmem:$0x13680] =	vst v63  }
0xb0: {  	s4 =	sadd.s32 $0x5100, s2  }
0xb1: {  	[tilespmem:s24], [sflag:$0x2] =	stream.indirect.gather.add.f32 [hbm:s0], $0x80, s4, s23, $0xb8;
	[tilespmem:$0x13680] =	vst v63  }
0xb2: {  	s2 =	sadd.s32 $0x6100, s2  }
0xb3: {  	[tilespmem:s25], [sflag:$0x2] =	stream.indirect.gather.add.f32 [hbm:s1], $0x80, s2, s23, $0xb8;
	[tilespmem:$0x13680] =	vst v63  }
0xb4: {  	s2 =	simm.s32 $0x5F  }
.LBB2_8:
0xb5: {  	p0 =	sne.s32 s2, $0x1  }
.Ltmp3:
0xb6: {  	_ = 	snop;
	(pc) =	sbr.rel @p0 .LBB2_8-.Ltmp3, $4  }
0xb7: {  	_ = 	snop  }
0xb8: {  	_ =	swait.ge [sflag:s28], $0x4000  }
0xb9: {  	[sflag:s28] =	ssyncset.done $0x0  }
0xba: {  	s2 =	sadd.s32 $0xFFFFFFFF, s2;
	[sflag:s28] =	ssyncadd.s32 $0xFFFFC000  }
0xbb: {  	s3 =	simm.s32 $0x0  }
0xbc: {  	v2 =	vld [tilespmem:s3+$0xB1B0]  }
0xbd: {  	v5 =	vld [tilespmem:s3+$0x7140]  }
0xbe: {  	v7 =	vld [tilespmem:s3+$0x71C0]  }
0xbf: {  	v4 =	vld [tilespmem:s3+$0xF1C0]  }
0xc0: {  	v6 =	vld [tilespmem:s3+$0xB140]  }
0xc1: {  	v3 =	vld [tilespmem:s3+$0xF140]  }
0xc2: {  	v11 =	vld [tilespmem:s3+$0xF130]  }
0xc3: {  	v13 =	vld [tilespmem:s3+$0xB130]  }
0xc4: {  	v14 =	vld [tilespmem:s3+$0x7130]  }
0xc5: {  	v15 =	vld [tilespmem:s3+$0xF1B0]  }
0xc6: {  	v16 =	vld [tilespmem:s3+$0xB1A0]  }
0xc7: {  	v18 =	vld [tilespmem:s3+$0xF1A0]  }
0xc8: {  	v19 =	vld [tilespmem:s3+$0xB120]  }
0xc9: {  	v20 =	vld [tilespmem:s3+$0x71B0]  }
0xca: {  	v8 =	vld [tilespmem:s3+$0xF180]  }
0xcb: {  	v24 =	vld [tilespmem:s3+$0xB110]  }
0xcc: {  	v12 =	vld [tilespmem:s3+$0xF110]  }
0xcd: {  	v21 =	vld [tilespmem:s3+$0x71A0]  }
0xce: {  	v22 =	vld [tilespmem:s3+$0xF120]  }
0xcf: {  	v23 =	vld [tilespmem:s3+$0x7120]  }
0xd0: {  	v17 =	vld [tilespmem:s3+$0xF190]  }
0xd1: {  	v10 =	vld [tilespmem:s3+$0xF100]  }
0xd2: {  	v9 =	vld [tilespmem:s3+$0xB190];
	v21 =	vmul.f32 $1.562500000e-02, v21  }
0xd3: {  	v25 =	vld [tilespmem:s3+$0xB180];
	v14 =	vmul.f32 $1.562500000e-02, v14;
	v20 =	vmul.f32 $1.562500000e-02, v20  }
0xd4: {  	v26 =	vmul.f32 $1.562500000e-02, v23;
	v13 =	vmul.f32 $3.125000000e-02, v13;
	v23 =	vld [tilespmem:s3+$0x7190]  }
0xd5: {  	v16 =	vmul.f32 $3.125000000e-02, v16;
	v18 =	vadd.f32 v21, v18;
	v21 =	vld [tilespmem:s3+$0x7110];
	v27 =	vadd.f32 v14, v11  }
0xd6: {  	v28 =	vmul.f32 $3.125000000e-02, v19;
	v19 =	vld [tilespmem:s3+$0x7100];
	v14 =	vadd.f32 v20, v15;
	v15 =	vadd.f32 v26, v22  }
0xd7: {  	s2 =	simm.s32 $0x0;
	v20 =	vld [tilespmem:s3+$0xB100];
	v11 =	vadd.f32 v16, v18;
	v16 =	vadd.f32 v13, v27  }
0xd8: {  	s30 =	simm.s32 $0x13200;
	s4 =	simm.s32 $0x400;
	s6 =	simm.s32 $0x13200;
	v22 =	vld [tilespmem:s3+$0x7180];
	v18 =	vmul.f32 $3.125000000e-02, v25;
	v13 =	vmul.f32 $3.125000000e-02, v24;
	v15 =	vadd.f32 v28, v15  }
.LBB2_10:
0xd9: {  	p0 =	sne.s32 s4, $0xFC00  }
0xda: {  	v21 =	vmul.f32 $1.562500000e-02, v21;
	v24 =	vld [tilespmem:s3+$0xB1C0];
	s30 =	sadd.s32 $0x10, s30;
	s7 =	smov.u32 s4;
	s4 =	sadd.s32 $0x400, s4  }
0xdb: {  	v6 =	vmul.f32 $3.125000000e-02, v6;
	v23 =	vmul.f32 $1.562500000e-02, v23;
	v25 =	vld [tilespmem:s3+$0x7150]  }
0xdc: {  	v7 =	vmul.f32 $1.562500000e-02, v7;
	v20 =	vmul.f32 $3.125000000e-02, v20;
	v26 =	vld [tilespmem:s3+$0xB150]  }
0xdd: {  	v5 =	vmul.f32 $1.562500000e-02, v5;
	v17 =	vadd.f32 v23, v17;
	v23 =	vld [tilespmem:s3+$0xF150]  }
0xde: {  	v2 =	vmul.f32 $3.125000000e-02, v2;
	v12 =	vadd.f32 v21, v12;
	v4 =	vadd.f32 v7, v4;
	v7 =	vld [tilespmem:s3+$0xB160]  }
0xdf: {  	v3 =	vadd.f32 v5, v3;
	v21 =	vmul.f32 $1.562500000e-02, v22;
	v5 =	vmul.f32 $3.125000000e-02, v24;
	v22 =	vld [tilespmem:s3+$0xB1E0]  }
0xe0: {  	v2 =	vadd.f32 v2, v14;
	v19 =	vmul.f32 $1.562500000e-02, v19;
	v14 =	vmul.f32 $1.562500000e-02, v25;
	v24 =	vld [tilespmem:s3+$0x71D0]  }
0xe1: {  	v3 =	vadd.f32 v6, v3;
	v8 =	vadd.f32 v21, v8;
	v6 =	vmul.f32 $3.125000000e-02, v26;
	v21 =	vld [tilespmem:s3+$0xB1D0]  }
0xe2: {  	v2 =	vmul.f32 v2, v16;
	v10 =	vadd.f32 v19, v10;
	v14 =	vadd.f32 v14, v23;
	v16 =	vld [tilespmem:s3+$0xF1D0]  }
0xe3: {  	v11 =	vmul.f32 v11, v15;
	v4 =	vadd.f32 v5, v4;
	v8 =	vadd.f32 v18, v8;
	v5 =	vld [tilespmem:s3+$0x71E0]  }
0xe4: {  	v9 =	vmul.f32 $3.125000000e-02, v9;
	v10 =	vadd.f32 v20, v10;
	v6 =	vadd.f32 v6, v14;
	v14 =	vld [tilespmem:s3+$0x7160]  }
0xe5: {  	v12 =	vadd.f32 v13, v12;
	v3 =	vmul.f32 v4, v3;
	v4 =	vmul.f32 $1.562500000e-02, v24;
	v13 =	vld [tilespmem:s3+$0xF1E0]  }
0xe6: {  	v9 =	vadd.f32 v9, v17;
	v8 =	vmul.f32 v8, v10;
	v10 =	vld [tilespmem:s3+$0xF160]  }
0xe7: {  	v15 =	vmul.f32 $3.125000000e-02, v21;
	v4 =	vadd.f32 v4, v16;
	v16 =	vld [tilespmem:s3+$0xB170]  }
0xe8: {  	v9 =	vmul.f32 v9, v12;
	v8 =	vadd.f32 $0.0e+00, v8;
	v5 =	vmul.f32 $1.562500000e-02, v5;
	v12 =	vld [tilespmem:s3+$0xB1F0]  }
0xe9: {  	v4 =	vadd.f32 v15, v4;
	v14 =	vmul.f32 $1.562500000e-02, v14;
	v15 =	vld [tilespmem:s3+$0x71F0]  }
0xea: {  	v7 =	vmul.f32 $3.125000000e-02, v7;
	v5 =	vadd.f32 v5, v13;
	v13 =	vmul.f32 $3.125000000e-02, v22;
	v17 =	vld [tilespmem:s3+$0x7170]  }
0xeb: {  	v8 =	vadd.f32 v9, v8;
	v4 =	vmul.f32 v4, v6;
	v6 =	vadd.f32 v14, v10;
	v9 =	vld [tilespmem:s3+$0xF1F0]  }
0xec: {  	v5 =	vadd.f32 v13, v5;
	v10 =	vld [tilespmem:s3+$0xF170]  }
0xed: {  	v8 =	vadd.f32 v11, v8;
	v6 =	vadd.f32 v7, v6  }
0xee: {  	v7 =	vmul.f32 $1.562500000e-02, v15  }
0xef: {  	v2 =	vadd.f32 v2, v8;
	v5 =	vmul.f32 v5, v6;
	v6 =	vmul.f32 $1.562500000e-02, v17  }
0xf0: {  	v8 =	vmul.f32 $3.125000000e-02, v12;
	v7 =	vadd.f32 v7, v9  }
0xf1: {  	v2 =	vadd.f32 v3, v2;
	v3 =	vadd.f32 v6, v10;
	v6 =	vmul.f32 $3.125000000e-02, v16  }
0xf2: {  	v7 =	vadd.f32 v8, v7  }
0xf3: {  	v2 =	vadd.f32 v4, v2;
	v3 =	vadd.f32 v6, v3;
	_ =	sdelay $0x1  }
0xf4: {  	v2 =	vadd.f32 v5, v2;
	v3 =	vmul.f32 v7, v3;
	_ =	sdelay $0x1  }
0xf5: {  	v2 =	vadd.f32 v3, v2;
	_ =	sdelay $0x1  }
0xf6: {  	s3 =	sshra.s32 s7, $0x2;
	[tilespmem:s6+$0x0] =	vst v2;
	s6 =	smov.u32 s30  }
0xf7: {  	v2 =	vld [tilespmem:s3+$0xB1B0]  }
0xf8: {  	v5 =	vld [tilespmem:s3+$0x7140]  }
0xf9: {  	v7 =	vld [tilespmem:s3+$0x71C0]  }
0xfa: {  	v4 =	vld [tilespmem:s3+$0xF1C0]  }
0xfb: {  	v6 =	vld [tilespmem:s3+$0xB140]  }
0xfc: {  	v3 =	vld [tilespmem:s3+$0xF140]  }
0xfd: {  	v11 =	vld [tilespmem:s3+$0xF130]  }
0xfe: {  	v9 =	vld [tilespmem:s3+$0xB130]  }
0xff: {  	v13 =	vld [tilespmem:s3+$0x7130]  }
0x100: {  	v10 =	vld [tilespmem:s3+$0xF1B0]  }
0x101: {  	v15 =	vld [tilespmem:s3+$0xB1A0]  }
0x102: {  	v16 =	vld [tilespmem:s3+$0xF1A0]  }
0x103: {  	v14 =	vld [tilespmem:s3+$0xB120]  }
0x104: {  	v17 =	vld [tilespmem:s3+$0x71B0]  }
0x105: {  	v8 =	vld [tilespmem:s3+$0xF180]  }
0x106: {  	v24 =	vld [tilespmem:s3+$0xB110]  }
0x107: {  	v12 =	vld [tilespmem:s3+$0xF110]  }
0x108: {  	v18 =	vld [tilespmem:s3+$0x71A0]  }
0x109: {  	v19 =	vld [tilespmem:s3+$0xF120];
	v20 =	vmul.f32 $1.562500000e-02, v17  }
0x10a: {  	v25 =	vmul.f32 $3.125000000e-02, v14;
	v22 =	vld [tilespmem:s3+$0x7120]  }
0x10b: {  	v26 =	vmul.f32 $3.125000000e-02, v9;
	v17 =	vld [tilespmem:s3+$0xF190];
	v14 =	vadd.f32 v20, v10  }
0x10c: {  	v10 =	vld [tilespmem:s3+$0xF100]  }
0x10d: {  	v15 =	vmul.f32 $3.125000000e-02, v15;
	v9 =	vld [tilespmem:s3+$0xB190];
	v18 =	vmul.f32 $1.562500000e-02, v18  }
0x10e: {  	v13 =	vmul.f32 $1.562500000e-02, v13;
	v27 =	vld [tilespmem:s3+$0xB180]  }
.Ltmp4:
0x10f: {  	v21 =	vld [tilespmem:s3+$0x7110];
	v22 =	vmul.f32 $1.562500000e-02, v22;
	v16 =	vadd.f32 v18, v16;
	(pc) =	sbr.rel @p0 .LBB2_10-.Ltmp4, $4  }
0x110: {  	v13 =	vadd.f32 v13, v11;
	v23 =	vld [tilespmem:s3+$0x7190]  }
0x111: {  	v20 =	vld [tilespmem:s3+$0xB100];
	v28 =	vadd.f32 v22, v19;
	v11 =	vadd.f32 v15, v16  }
0x112: {  	v16 =	vadd.f32 v26, v13;
	v19 =	vld [tilespmem:s3+$0x7100]  }
0x113: {  	v13 =	vmul.f32 $3.125000000e-02, v24;
	v22 =	vld [tilespmem:s3+$0x7180];
	v18 =	vmul.f32 $3.125000000e-02, v27;
	v15 =	vadd.f32 v25, v28  }
0x114: {  	v24 =	vld [tilespmem:s3+$0xB1C0]  }
0x115: {  	v25 =	vld [tilespmem:s3+$0x7150]  }
0x116: {  	v26 =	vld [tilespmem:s3+$0xB150]  }
0x117: {  	v27 =	vld [tilespmem:s3+$0xF150]  }
0x118: {  	v21 =	vmul.f32 $1.562500000e-02, v21;
	v28 =	vld [tilespmem:s3+$0xB160];
	v7 =	vmul.f32 $1.562500000e-02, v7  }
0x119: {  	v45 =	vld [tilespmem:s3+$0xB1E0];
	v5 =	vmul.f32 $1.562500000e-02, v5;
	v2 =	vmul.f32 $3.125000000e-02, v2  }
0x11a: {  	v47 =	vld [tilespmem:s3+$0x71D0];
	v6 =	vmul.f32 $3.125000000e-02, v6;
	v9 =	vmul.f32 $3.125000000e-02, v9;
	v12 =	vadd.f32 v21, v12  }
0x11b: {  	v48 =	vld [tilespmem:s3+$0xB1D0];
	v4 =	vadd.f32 v7, v4;
	v7 =	vmul.f32 $1.562500000e-02, v19;
	v46 =	vmul.f32 $1.562500000e-02, v22  }
0x11c: {  	v51 =	vld [tilespmem:s3+$0x7160];
	v23 =	vmul.f32 $1.562500000e-02, v23;
	v3 =	vadd.f32 v5, v3;
	v2 =	vadd.f32 v2, v14  }
0x11d: {  	v53 =	vld [tilespmem:s3+$0xF1E0];
	v49 =	vmul.f32 $3.125000000e-02, v20;
	v7 =	vadd.f32 v7, v10;
	v5 =	vadd.f32 v46, v8  }
0x11e: {  	v54 =	vld [tilespmem:s3+$0xF160];
	v11 =	vmul.f32 v11, v15;
	v17 =	vadd.f32 v23, v17;
	v3 =	vadd.f32 v6, v3  }
0x11f: {  	v2 =	vmul.f32 v2, v16;
	v8 =	vld [tilespmem:s3+$0xF1D0];
	v7 =	vadd.f32 v49, v7;
	v5 =	vadd.f32 v18, v5  }
0x120: {  	v12 =	vadd.f32 v13, v12;
	v10 =	vld [tilespmem:s3+$0x71E0];
	v50 =	vmul.f32 $3.125000000e-02, v24;
	v52 =	vmul.f32 $1.562500000e-02, v25  }
0x121: {  	v57 =	vld [tilespmem:s3+$0xB1F0];
	v6 =	vmul.f32 $3.125000000e-02, v26;
	v5 =	vmul.f32 v5, v7;
	v7 =	vadd.f32 v9, v17  }
0x122: {  	v58 =	vld [tilespmem:s3+$0x71F0];
	v56 =	vmul.f32 $1.562500000e-02, v47;
	v59 =	vmul.f32 $3.125000000e-02, v48  }
0x123: {  	v60 =	vld [tilespmem:s3+$0x7170];
	v4 =	vadd.f32 v50, v4;
	v5 =	vadd.f32 $0.0e+00, v5;
	v7 =	vmul.f32 v7, v12  }
0x124: {  	v62 =	vld [tilespmem:s3+$0xF170];
	v61 =	vmul.f32 $3.125000000e-02, v28;
	v55 =	vadd.f32 v52, v27;
	v8 =	vadd.f32 v56, v8  }
0x125: {  	v3 =	vmul.f32 v4, v3;
	v4 =	vmul.f32 $1.562500000e-02, v10;
	v5 =	vadd.f32 v7, v5;
	v7 =	vld [tilespmem:s3+$0xF1F0]  }
0x126: {  	v6 =	vadd.f32 v6, v55;
	v9 =	vld [tilespmem:s3+$0xB170];
	v10 =	vmul.f32 $1.562500000e-02, v51;
	v8 =	vadd.f32 v59, v8  }
0x127: {  	v63 =	vmul.f32 $3.125000000e-02, v45;
	v4 =	vadd.f32 v4, v53;
	v5 =	vadd.f32 v11, v5  }
0x128: {  	v6 =	vmul.f32 v8, v6;
	v8 =	vadd.f32 v10, v54;
	v10 =	vmul.f32 $1.562500000e-02, v58  }
0x129: {  	v4 =	vadd.f32 v63, v4;
	v2 =	vadd.f32 v2, v5;
	v5 =	vmul.f32 $1.562500000e-02, v60  }
0x12a: {  	v8 =	vadd.f32 v61, v8;
	v7 =	vadd.f32 v10, v7;
	v10 =	vmul.f32 $3.125000000e-02, v57  }
0x12b: {  	v2 =	vadd.f32 v3, v2;
	v3 =	vadd.f32 v5, v62;
	v5 =	vmul.f32 $3.125000000e-02, v9  }
0x12c: {  	v4 =	vmul.f32 v4, v8;
	v7 =	vadd.f32 v10, v7  }
0x12d: {  	v2 =	vadd.f32 v6, v2;
	v3 =	vadd.f32 v5, v3;
	v5 =	vmov s2  }
0x12e: {  	v5 =	vshll.u32 v5, $0x4  }
0x12f: {  	v2 =	vadd.f32 v4, v2;
	v3 =	vmul.f32 v7, v3;
	v4 =	vor.u32 v0, v5;
	_ =	sdelay $0x1  }
0x130: {  	v2 =	vadd.f32 v3, v2;
	v3 =	vor.u32 $0x1, v4;
	_ =	sdelay $0x1  }
0x131: {  	[tilespmem:s6+$0x0] =	vst v2;
	v2 =	vor.u32 $0x2, v4  }
0x132: {  	v5 =	vld.idx.msk [tilespmem:v4+s29+$0x0], $0xffff  }
0x133: {  	v6 =	vor.u32 $0x3, v4  }
0x134: {  	v3 =	vld.idx.msk [tilespmem:v3+s29+$0x0], $0xffff  }
0x135: {  	v7 =	vor.u32 $0x4, v4  }
0x136: {  	v2 =	vld.idx.msk [tilespmem:v2+s29+$0x0], $0xffff  }
0x137: {  	v8 =	vor.u32 $0x5, v4;
	v5 =	vadd.f32 $0.0e+00, v5  }
0x138: {  	v6 =	vld.idx.msk [tilespmem:v6+s29+$0x0], $0xffff  }
0x139: {  	v9 =	vor.u32 $0x6, v4;
	v3 =	vadd.f32 v3, v5  }
0x13a: {  	v5 =	vld.idx.msk [tilespmem:v7+s29+$0x0], $0xffff  }
0x13b: {  	v7 =	vor.u32 $0x7, v4;
	v2 =	vadd.f32 v2, v3  }
0x13c: {  	v3 =	vld.idx.msk [tilespmem:v8+s29+$0x0], $0xffff  }
0x13d: {  	v8 =	vor.u32 $0x8, v4;
	v2 =	vadd.f32 v6, v2  }
0x13e: {  	v6 =	vld.idx.msk [tilespmem:v9+s29+$0x0], $0xffff  }
0x13f: {  	v9 =	vor.u32 $0x9, v4;
	v2 =	vadd.f32 v5, v2  }
0x140: {  	v5 =	vld.idx.msk [tilespmem:v7+s29+$0x0], $0xffff  }
0x141: {  	v7 =	vor.u32 $0xA, v4;
	v2 =	vadd.f32 v3, v2  }
0x142: {  	v3 =	vld.idx.msk [tilespmem:v8+s29+$0x0], $0xffff  }
0x143: {  	v8 =	vor.u32 $0xB, v4;
	v2 =	vadd.f32 v6, v2  }
0x144: {  	v6 =	vld.idx.msk [tilespmem:v9+s29+$0x0], $0xffff  }
0x145: {  	v9 =	vor.u32 $0xC, v4;
	v2 =	vadd.f32 v5, v2  }
0x146: {  	v5 =	vld.idx.msk [tilespmem:v7+s29+$0x0], $0xffff  }
0x147: {  	v7 =	vor.u32 $0xD, v4;
	v2 =	vadd.f32 v3, v2  }
0x148: {  	v3 =	vld.idx.msk [tilespmem:v8+s29+$0x0], $0xffff  }
0x149: {  	v8 =	vor.u32 $0xE, v4;
	v2 =	vadd.f32 v6, v2  }
0x14a: {  	v6 =	vld.idx.msk [tilespmem:v9+s29+$0x0], $0xffff  }
0x14b: {  	v2 =	vadd.f32 v5, v2  }
0x14c: {  	v4 =	vor.u32 $0xF, v4;
	v5 =	vld.idx.msk [tilespmem:v7+s29+$0x0], $0xffff  }
0x14d: {  	v2 =	vadd.f32 v3, v2  }
0x14e: {  	v3 =	vld.idx.msk [tilespmem:v8+s29+$0x0], $0xffff  }
0x14f: {  	v2 =	vadd.f32 v6, v2  }
0x150: {  	s30 =	simm.s32 $0x10  }
0x151: {  	v4 =	vld.idx.msk [tilespmem:v4+s29+$0x0], $0xffff;
	v6 =	vmov s30;
	v5 =	vadd.f32 v5, v2  }
0x152: {  	v2 =	vshll.u32 v6, $0x4  }
0x153: {  	v2 =	vor.u32 v0, v2;
	v3 =	vadd.f32 v3, v5  }
0x154: {  	v10 =	vor.u32 $0x1, v2;
	v9 =	vor.u32 $0x2, v2;
	v8 =	vor.u32 $0x3, v2  }
0x155: {  	v7 =	vor.u32 $0x4, v2;
	v5 =	vor.u32 $0x5, v2;
	v6 =	vor.u32 $0x6, v2  }
0x156: {  	s3 =	simm.s32 $0x20;
	s2 =	simm.s32 $0x13600;
	v11 =	vadd.f32 v4, v3;
	v4 =	vor.u32 $0x7, v2;
	v3 =	vor.u32 $0x8, v2  }
.LBB2_12:
0x157: {  	p0 =	sne.s32 s3, $0x30  }
0x158: {  	v12 =	vor.u32 $0x9, v2;
	v13 =	vor.u32 $0xA, v2;
	v14 =	vor.u32 $0xB, v2;
	[tilespmem:s2+$0x0] =	vst v11;
	s2 =	sadd.s32 $0x10, s2;
	s4 =	smov.u32 s3;
	s3 =	sadd.s32 $0x10, s3  }
0x159: {  	v15 =	vor.u32 $0xC, v2;
	v16 =	vor.u32 $0xD, v2;
	v17 =	vor.u32 $0xE, v2;
	v11 =	vld.idx.msk [tilespmem:v2+s29+$0x0], $0xffff  }
0x15a: {  	v2 =	vor.u32 $0xF, v2  }
0x15b: {  	v10 =	vld.idx.msk [tilespmem:v10+s29+$0x0], $0xffff;
	_ =	sdelay $0x1  }
0x15c: {  	v9 =	vld.idx.msk [tilespmem:v9+s29+$0x0], $0xffff;
	_ =	sdelay $0x1  }
0x15d: {  	v11 =	vadd.f32 $0.0e+00, v11;
	v8 =	vld.idx.msk [tilespmem:v8+s29+$0x0], $0xffff;
	_ =	sdelay $0x1  }
0x15e: {  	v10 =	vadd.f32 v10, v11;
	v7 =	vld.idx.msk [tilespmem:v7+s29+$0x0], $0xffff;
	_ =	sdelay $0x1  }
0x15f: {  	v9 =	vadd.f32 v9, v10;
	v5 =	vld.idx.msk [tilespmem:v5+s29+$0x0], $0xffff;
	_ =	sdelay $0x1  }
0x160: {  	v8 =	vadd.f32 v8, v9;
	v6 =	vld.idx.msk [tilespmem:v6+s29+$0x0], $0xffff;
	_ =	sdelay $0x1  }
0x161: {  	v7 =	vadd.f32 v7, v8;
	v4 =	vld.idx.msk [tilespmem:v4+s29+$0x0], $0xffff;
	_ =	sdelay $0x1  }
0x162: {  	v5 =	vadd.f32 v5, v7;
	v3 =	vld.idx.msk [tilespmem:v3+s29+$0x0], $0xffff;
	_ =	sdelay $0x1  }
0x163: {  	v5 =	vadd.f32 v6, v5;
	v6 =	vld.idx.msk [tilespmem:v12+s29+$0x0], $0xffff;
	_ =	sdelay $0x1  }
0x164: {  	v4 =	vadd.f32 v4, v5;
	v5 =	vld.idx.msk [tilespmem:v13+s29+$0x0], $0xffff;
	_ =	sdelay $0x1  }
0x165: {  	v3 =	vadd.f32 v3, v4;
	v4 =	vld.idx.msk [tilespmem:v14+s29+$0x0], $0xffff;
	_ =	sdelay $0x1  }
0x166: {  	v3 =	vadd.f32 v6, v3;
	v6 =	vld.idx.msk [tilespmem:v15+s29+$0x0], $0xffff;
	_ =	sdelay $0x1  }
0x167: {  	v3 =	vadd.f32 v5, v3;
	v5 =	vld.idx.msk [tilespmem:v16+s29+$0x0], $0xffff;
	_ =	sdelay $0x1  }
0x168: {  	v3 =	vadd.f32 v4, v3;
	v4 =	vld.idx.msk [tilespmem:v17+s29+$0x0], $0xffff;
	_ =	sdelay $0x1  }
0x169: {  	v3 =	vadd.f32 v6, v3;
	v6 =	vld.idx.msk [tilespmem:v2+s29+$0x0], $0xffff;
	_ =	sdelay $0x1  }
0x16a: {  	v2 =	vmov s4;
	v3 =	vadd.f32 v5, v3  }
.Ltmp5:
0x16b: {  	v2 =	vshll.u32 v2, $0x4;
	(pc) =	sbr.rel @p0 .LBB2_12-.Ltmp5, $4  }
0x16c: {  	v2 =	vor.u32 v0, v2;
	v3 =	vadd.f32 v4, v3  }
0x16d: {  	v10 =	vor.u32 $0x1, v2;
	v9 =	vor.u32 $0x2, v2;
	v8 =	vor.u32 $0x3, v2  }
0x16e: {  	v7 =	vor.u32 $0x4, v2;
	v5 =	vor.u32 $0x5, v2;
	v11 =	vadd.f32 v6, v3  }
0x16f: {  	v4 =	vor.u32 $0x7, v2;
	v6 =	vor.u32 $0x6, v2;
	v3 =	vor.u32 $0x8, v2  }
0x170: {  	_ =	sdelay $0x2  }
0x171: {  	[tilespmem:s2+$0x0] =	vst v11  }
0x172: {  	v11 =	vld.idx.msk [tilespmem:v2+s29+$0x0], $0xffff;
	_ =	sdelay $0x1  }
0x173: {  	v10 =	vld.idx.msk [tilespmem:v10+s29+$0x0], $0xffff;
	_ =	sdelay $0x1  }
0x174: {  	v9 =	vld.idx.msk [tilespmem:v9+s29+$0x0], $0xffff  }
0x175: {  	v11 =	vadd.f32 $0.0e+00, v11  }
0x176: {  	v8 =	vld.idx.msk [tilespmem:v8+s29+$0x0], $0xffff  }
0x177: {  	v10 =	vadd.f32 v10, v11  }
0x178: {  	v7 =	vld.idx.msk [tilespmem:v7+s29+$0x0], $0xffff  }
0x179: {  	v9 =	vadd.f32 v9, v10  }
0x17a: {  	v5 =	vld.idx.msk [tilespmem:v5+s29+$0x0], $0xffff  }
0x17b: {  	v8 =	vadd.f32 v8, v9  }
0x17c: {  	v6 =	vld.idx.msk [tilespmem:v6+s29+$0x0], $0xffff  }
0x17d: {  	v52 =	vor.u32 $0x9, v2;
	v7 =	vadd.f32 v7, v8  }
0x17e: {  	v4 =	vld.idx.msk [tilespmem:v4+s29+$0x0], $0xffff  }
0x17f: {  	v53 =	vor.u32 $0xA, v2;
	v5 =	vadd.f32 v5, v7  }
0x180: {  	v3 =	vld.idx.msk [tilespmem:v3+s29+$0x0], $0xffff  }
0x181: {  	v54 =	vor.u32 $0xB, v2;
	v5 =	vadd.f32 v6, v5  }
0x182: {  	v55 =	vld.idx.msk [tilespmem:v52+s29+$0x0], $0xffff  }
0x183: {  	v56 =	vor.u32 $0xC, v2;
	v4 =	vadd.f32 v4, v5  }
0x184: {  	v57 =	vld.idx.msk [tilespmem:v53+s29+$0x0], $0xffff  }
0x185: {  	v58 =	vor.u32 $0xD, v2;
	v3 =	vadd.f32 v3, v4  }
0x186: {  	v59 =	vld.idx.msk [tilespmem:v54+s29+$0x0], $0xffff  }
0x187: {  	v60 =	vor.u32 $0xE, v2;
	v3 =	vadd.f32 v55, v3  }
0x188: {  	v61 =	vld.idx.msk [tilespmem:v56+s29+$0x0], $0xffff  }
0x189: {  	v2 =	vor.u32 $0xF, v2;
	v3 =	vadd.f32 v57, v3  }
0x18a: {  	v62 =	vld.idx.msk [tilespmem:v58+s29+$0x0], $0xffff  }
0x18b: {  	v3 =	vadd.f32 v59, v3  }
0x18c: {  	v63 =	vld.idx.msk [tilespmem:v60+s29+$0x0], $0xffff  }
0x18d: {  	v3 =	vadd.f32 v61, v3  }
0x18e: {  	v2 =	vld.idx.msk [tilespmem:v2+s29+$0x0], $0xffff  }
0x18f: {  	v3 =	vadd.f32 v62, v3;
	_ =	sdelay $0x1  }
0x190: {  	v3 =	vadd.f32 v63, v3;
	_ =	sdelay $0x1  }
0x191: {  	v2 =	vadd.f32 v2, v3  }
0x192: {  	s30 =	sadd.s32 $0x10, s2  }
0x193: {  	[tilespmem:s30+$0x0] =	vst v2  }
0x194: {  	v2 =	vld [tilespmem:$0x80];
	_ =	sdelay $0x4  }
0x195: {  	s3 =	simm.s32 $0x0;
	v2 =	vshll.u32 v2, $0x5  }
0x196: {  	s2 =	simm.s32 $0x140;
	v2 =	vadd.s32 s3, v2  }
0x197: {  	[tilespmem:s2+$0xFFFFFFC0] =	vst v2  }
0x198: {  	v2 =	vld [tilespmem:$0x90];
	_ =	sdelay $0x4  }
0x199: {  	v2 =	vshll.u32 v2, $0x5  }
0x19a: {  	v2 =	vadd.s32 s3, v2  }
0x19b: {  	[tilespmem:s2+$0xFFFFFFD0] =	vst v2  }
0x19c: {  	v2 =	vld [tilespmem:$0xA0];
	_ =	sdelay $0x4  }
0x19d: {  	v2 =	vshll.u32 v2, $0x5  }
0x19e: {  	v2 =	vadd.s32 s3, v2  }
0x19f: {  	[tilespmem:s2+$0xFFFFFFE0] =	vst v2  }
0x1a0: {  	v2 =	vld [tilespmem:$0xB0];
	_ =	sdelay $0x4  }
0x1a1: {  	v2 =	vshll.u32 v2, $0x5  }
0x1a2: {  	v2 =	vadd.s32 s3, v2  }
0x1a3: {  	[tilespmem:s2+$0xFFFFFFF0] =	vst v2  }
0x1a4: {  	v2 =	vld [tilespmem:$0xC0];
	_ =	sdelay $0x4  }
0x1a5: {  	v2 =	vshll.u32 v2, $0x5  }
0x1a6: {  	v2 =	vadd.s32 s3, v2  }
0x1a7: {  	[tilespmem:s2+$0x0] =	vst v2  }
0x1a8: {  	v2 =	vld [tilespmem:$0xD0];
	_ =	sdelay $0x4  }
0x1a9: {  	v2 =	vshll.u32 v2, $0x5  }
0x1aa: {  	v2 =	vadd.s32 s3, v2  }
0x1ab: {  	[tilespmem:s2+$0x10] =	vst v2  }
0x1ac: {  	v2 =	vld [tilespmem:$0xE0];
	_ =	sdelay $0x4  }
0x1ad: {  	v2 =	vshll.u32 v2, $0x5  }
0x1ae: {  	v2 =	vadd.s32 s3, v2  }
0x1af: {  	[tilespmem:s2+$0x20] =	vst v2  }
0x1b0: {  	v2 =	vld [tilespmem:$0xF0];
	_ =	sdelay $0x4  }
0x1b1: {  	v2 =	vshll.u32 v2, $0x5  }
0x1b2: {  	v2 =	vadd.s32 s3, v2  }
0x1b3: {  	[tilespmem:s2+$0x30] =	vst v2  }
0x1b4: {  	s4 =	simm.s32 $0x2;
	s3 =	simm.s32 $0x1;
	v2 =	vld [tilespmem:$0x80]  }
.LBB2_14:
0x1b5: {  	p0 =	sne.s32 s4, $0x1F;
	_ =	sdelay $0x3  }
0x1b6: {  	v2 =	vshll.u32 v2, $0x5  }
0x1b7: {  	s2 =	sadd.s32 $0x80, s2;
	v2 =	vadd.s32 s3, v2  }
0x1b8: {  	[tilespmem:s2+$0xFFFFFFC0] =	vst v2  }
0x1b9: {  	v2 =	vld [tilespmem:$0x90];
	_ =	sdelay $0x4  }
0x1ba: {  	v2 =	vshll.u32 v2, $0x5  }
0x1bb: {  	v2 =	vadd.s32 s3, v2  }
0x1bc: {  	[tilespmem:s2+$0xFFFFFFD0] =	vst v2  }
0x1bd: {  	v2 =	vld [tilespmem:$0xA0];
	_ =	sdelay $0x4  }
0x1be: {  	v2 =	vshll.u32 v2, $0x5  }
0x1bf: {  	v2 =	vadd.s32 s3, v2  }
0x1c0: {  	[tilespmem:s2+$0xFFFFFFE0] =	vst v2  }
0x1c1: {  	v2 =	vld [tilespmem:$0xB0];
	_ =	sdelay $0x4  }
0x1c2: {  	v2 =	vshll.u32 v2, $0x5  }
0x1c3: {  	v2 =	vadd.s32 s3, v2  }
0x1c4: {  	[tilespmem:s2+$0xFFFFFFF0] =	vst v2  }
0x1c5: {  	v2 =	vld [tilespmem:$0xC0];
	_ =	sdelay $0x4  }
0x1c6: {  	v2 =	vshll.u32 v2, $0x5  }
0x1c7: {  	v2 =	vadd.s32 s3, v2  }
0x1c8: {  	[tilespmem:s2+$0x0] =	vst v2  }
0x1c9: {  	v2 =	vld [tilespmem:$0xD0];
	_ =	sdelay $0x4  }
0x1ca: {  	v2 =	vshll.u32 v2, $0x5  }
0x1cb: {  	v2 =	vadd.s32 s3, v2  }
0x1cc: {  	[tilespmem:s2+$0x10] =	vst v2  }
0x1cd: {  	v2 =	vld [tilespmem:$0xE0];
	_ =	sdelay $0x4  }
0x1ce: {  	v2 =	vshll.u32 v2, $0x5  }
0x1cf: {  	v2 =	vadd.s32 s3, v2  }
0x1d0: {  	[tilespmem:s2+$0x20] =	vst v2  }
0x1d1: {  	v2 =	vld [tilespmem:$0xF0];
	_ =	sdelay $0x3  }
.Ltmp6:
0x1d2: {  	(pc) =	sbr.rel @p0 .LBB2_14-.Ltmp6, $4  }
0x1d3: {  	v2 =	vshll.u32 v2, $0x5  }
0x1d4: {  	v2 =	vadd.s32 s3, v2;
	s3 =	smov.u32 s4  }
0x1d5: {  	[tilespmem:s2+$0x30] =	vst v2  }
0x1d6: {  	s4 =	sadd.s32 $0x1, s4;
	v2 =	vld [tilespmem:$0x80]  }
0x1d7: {  	_ =	sdelay $0x3  }
0x1d8: {  	v2 =	vshll.u32 v2, $0x5  }
0x1d9: {  	s2 =	sadd.s32 $0x80, s2;
	v2 =	vadd.s32 s3, v2  }
0x1da: {  	[tilespmem:s2+$0xFFFFFFC0] =	vst v2  }
0x1db: {  	v2 =	vld [tilespmem:$0x90];
	_ =	sdelay $0x4  }
0x1dc: {  	v2 =	vshll.u32 v2, $0x5  }
0x1dd: {  	v2 =	vadd.s32 s3, v2  }
0x1de: {  	[tilespmem:s2+$0xFFFFFFD0] =	vst v2  }
0x1df: {  	v2 =	vld [tilespmem:$0xA0];
	_ =	sdelay $0x4  }
0x1e0: {  	v2 =	vshll.u32 v2, $0x5  }
0x1e1: {  	v2 =	vadd.s32 s3, v2  }
0x1e2: {  	[tilespmem:s2+$0xFFFFFFE0] =	vst v2  }
0x1e3: {  	v2 =	vld [tilespmem:$0xB0];
	_ =	sdelay $0x4  }
0x1e4: {  	v2 =	vshll.u32 v2, $0x5  }
0x1e5: {  	v2 =	vadd.s32 s3, v2  }
0x1e6: {  	[tilespmem:s2+$0xFFFFFFF0] =	vst v2  }
0x1e7: {  	v2 =	vld [tilespmem:$0xC0];
	_ =	sdelay $0x4  }
0x1e8: {  	v2 =	vshll.u32 v2, $0x5  }
0x1e9: {  	v2 =	vadd.s32 s3, v2  }
0x1ea: {  	[tilespmem:s2+$0x0] =	vst v2  }
0x1eb: {  	v2 =	vld [tilespmem:$0xD0];
	_ =	sdelay $0x4  }
0x1ec: {  	v2 =	vshll.u32 v2, $0x5  }
0x1ed: {  	v2 =	vadd.s32 s3, v2  }
0x1ee: {  	[tilespmem:s2+$0x10] =	vst v2  }
0x1ef: {  	v2 =	vld [tilespmem:$0xE0];
	_ =	sdelay $0x4  }
0x1f0: {  	v2 =	vshll.u32 v2, $0x5  }
0x1f1: {  	v2 =	vadd.s32 s3, v2  }
0x1f2: {  	[tilespmem:s2+$0x20] =	vst v2  }
0x1f3: {  	v2 =	vld [tilespmem:$0xF0];
	_ =	sdelay $0x4  }
0x1f4: {  	v2 =	vshll.u32 v2, $0x5  }
0x1f5: {  	v2 =	vadd.s32 s3, v2  }
0x1f6: {  	s7 =	rddreg [dreg:$0x4];
	[tilespmem:s2+$0x30] =	vst v2  }
0x1f7: {  	[tilespmem:s17], [sflag:$0x1] =	stream.indirect.gather [hbm4b:s7+s16], $0x1, s13, s16, $0xb8;
	[tilespmem:$0x13680] =	vst v63  }
0x1f8: {  	_ =	swait.ge [sflag:s15], $0x1000  }
0x1f9: {  	[sflag:s15] =	ssyncset.done $0x0  }
0x1fa: {  	[sflag:s15] =	ssyncadd.s32 $0xFFFFF000  }
0x1fb: {  	s2 =	simm.s32 $0x0;
	s30 =	rddreg [dreg:$0x6]  }
0x1fc: {  	[tilespmem:s18], [sflag:$0x1] =	stream.indirect.gather [hbm4b:s30+s16], $0x1, s17, s16, $0xb8;
	[tilespmem:$0x13680] =	vst v63  }
0x1fd: {  	v2 =	vld [tilespmem:s2+$0x1100]  }
0x1fe: {  	s3 =	simm.s32 $0x40  }
.LBB2_16:
0x1ff: {  	p0 =	sne.s32 s3, $0x3FC0  }
.Ltmp7:
0x200: {  	_ = 	snop;
	(pc) =	sbr.rel @p0 .LBB2_16-.Ltmp7, $4  }
0x201: {  	_ = 	snop  }
0x202: {  	s4 =	sshra.s32 s3, $0x2;
	s3 =	sadd.s32 $0x40, s3;
	v3 =	vshll.u32 v2, $0x1  }
0x203: {  	v2 =	vld [tilespmem:s4+$0x1100];
	[tilespmem:s2+$0x2100] =	vst v3;
	v3 =	vor.u32 $0x1, v3  }
0x204: {  	[tilespmem:s2+$0x3100] =	vst v3;
	s2 =	smov.u32 s4  }
0x205: {  	_ =	sdelay $0x2  }
0x206: {  	v2 =	vshll.u32 v2, $0x1  }
0x207: {  	[tilespmem:s2+$0x2100] =	vst v2;
	v2 =	vor.u32 $0x1, v2  }
0x208: {  	[tilespmem:s2+$0x3100] =	vst v2  }
0x209: {  	[tilespmem:s20], [sflag:$0x1] =	stream.indirect.gather [hbm4b:s5+s16], $0x1, s19, s16, $0xb8;
	[tilespmem:$0x13680] =	vst v63  }
0x20a: {  	_ = 	snop  }
0x20b: {  	[tilespmem:s22], [sflag:$0x1] =	stream.indirect.gather [hbm4b:s5+s16], $0x1, s21, s16, $0xb8;
	[tilespmem:$0x13680] =	vst v63  }
0x20c: {  	_ =	swait.ge [sflag:s15], $0x1000  }
0x20d: {  	[sflag:s15] =	ssyncset.done $0x0  }
0x20e: {  	[sflag:s15] =	ssyncadd.s32 $0xFFFFF000  }
0x20f: {  	_ =	swait.ge [sflag:s15], $0x1000  }
0x210: {  	[sflag:s15] =	ssyncset.done $0x0  }
0x211: {  	[sflag:s15] =	ssyncadd.s32 $0xFFFFF000  }
0x212: {  	_ =	swait.ge [sflag:s15], $0x1000  }
0x213: {  	[sflag:s15] =	ssyncset.done $0x0  }
0x214: {  	[sflag:s15] =	ssyncadd.s32 $0xFFFFF000  }
0x215: {  	[tilespmem:s24], [sflag:$0x1] =	stream.indirect.gather [hbm4b:s0+s23], $0x80, s20, s23, $0xb8;
	[tilespmem:$0x13680] =	vst v63  }
0x216: {  	_ = 	snop  }
0x217: {  	[tilespmem:s25], [sflag:$0x1] =	stream.indirect.gather [hbm4b:s1+s23], $0x80, s18, s23, $0xb8;
	[tilespmem:$0x13680] =	vst v63  }
0x218: {  	_ =	swait.ge [sflag:s15], $0x4000  }
0x219: {  	[sflag:s15] =	ssyncset.done $0x0  }
0x21a: {  	[sflag:s15] =	ssyncadd.s32 $0xFFFFC000  }
0x21b: {  	_ =	swait.ge [sflag:s15], $0x4000  }
0x21c: {  	[sflag:s15] =	ssyncset.done $0x0  }
0x21d: {  	[sflag:s15] =	ssyncadd.s32 $0xFFFFC000  }
0x21e: {  	[tilespmem:s26], [sflag:$0x2] =	stream.indirect.gather [hbm4b:s0+s23], $0x80, s23, s23, $0xb8;
	[tilespmem:$0x13680] =	vst v63  }
0x21f: {  	_ = 	snop  }
0x220: {  	[tilespmem:s24], [sflag:$0x2] =	stream.indirect.gather.add.f32 [hbm:s0], $0x80, s22, s23, $0xb8;
	[tilespmem:$0x13680] =	vst v63  }
0x221: {  	s7 =	simm.s32 $0x4180  }
0x222: {  	[tilespmem:s24], [sflag:$0x2] =	stream.indirect.gather.add.f32 [hbm:s0], $0x80, s7, s23, $0xb8;
	[tilespmem:$0x13680] =	vst v63  }
0x223: {  	s30 =	simm.s32 $0x5180;
	s3 =	simm.s32 $0x400;
	s2 =	simm.s32 $0x80  }
0x224: {  	[tilespmem:s24], [sflag:$0x2] =	stream.indirect.gather.add.f32 [hbm:s0], $0x80, s30, s23, $0xb8;
	[tilespmem:$0x13680] =	vst v63  }
.LBB2_18:
0x225: {  	s4 =	sadd.s32 $0x6100, s2;
	s2 =	sshra.s32 s3, $0x2;
	p0 =	sne.s32 s3, $0x3E00  }
0x226: {  	[tilespmem:s25], [sflag:$0x2] =	stream.indirect.gather.add.f32 [hbm:s1], $0x80, s4, s23, $0xb8;
	[tilespmem:$0x13680] =	vst v63  }
.Ltmp8:
0x227: {  	_ = 	snop;
	(pc) =	sbr.rel @p0 .LBB2_18-.Ltmp8, $4  }
0x228: {  	s3 =	sadd.s32 $0x200, s3;
	s4 =	sadd.s32 $0x4100, s2  }
0x229: {  	[tilespmem:s24], [sflag:$0x2] =	stream.indirect.gather.add.f32 [hbm:s0], $0x80, s4, s23, $0xb8;
	[tilespmem:$0x13680] =	vst v63  }
0x22a: {  	s4 =	sadd.s32 $0x5100, s2  }
0x22b: {  	[tilespmem:s24], [sflag:$0x2] =	stream.indirect.gather.add.f32 [hbm:s0], $0x80, s4, s23, $0xb8;
	[tilespmem:$0x13680] =	vst v63  }
0x22c: {  	s2 =	sadd.s32 $0x6100, s2  }
0x22d: {  	[tilespmem:s25], [sflag:$0x2] =	stream.indirect.gather.add.f32 [hbm:s1], $0x80, s2, s23, $0xb8;
	[tilespmem:$0x13680] =	vst v63  }
0x22e: {  	s2 =	simm.s32 $0x5F  }
.LBB2_20:
0x22f: {  	p0 =	sne.s32 s2, $0x1  }
.Ltmp9:
0x230: {  	_ = 	snop;
	(pc) =	sbr.rel @p0 .LBB2_20-.Ltmp9, $4  }
0x231: {  	_ = 	snop  }
0x232: {  	_ =	swait.ge [sflag:s28], $0x4000  }
0x233: {  	[sflag:s28] =	ssyncset.done $0x0  }
0x234: {  	s2 =	sadd.s32 $0xFFFFFFFF, s2;
	[sflag:s28] =	ssyncadd.s32 $0xFFFFC000  }
0x235: {  	s3 =	simm.s32 $0x0  }
0x236: {  	v2 =	vld [tilespmem:s3+$0xB1B0]  }
0x237: {  	v5 =	vld [tilespmem:s3+$0x7140]  }
0x238: {  	v7 =	vld [tilespmem:s3+$0x71C0]  }
0x239: {  	v4 =	vld [tilespmem:s3+$0xF1C0]  }
0x23a: {  	v6 =	vld [tilespmem:s3+$0xB140]  }
0x23b: {  	v3 =	vld [tilespmem:s3+$0xF140]  }
0x23c: {  	v11 =	vld [tilespmem:s3+$0xF130]  }
0x23d: {  	v13 =	vld [tilespmem:s3+$0xB130]  }
0x23e: {  	v14 =	vld [tilespmem:s3+$0x7130]  }
0x23f: {  	v15 =	vld [tilespmem:s3+$0xF1B0]  }
0x240: {  	v16 =	vld [tilespmem:s3+$0xB1A0]  }
0x241: {  	v18 =	vld [tilespmem:s3+$0xF1A0]  }
0x242: {  	v19 =	vld [tilespmem:s3+$0xB120]  }
0x243: {  	v20 =	vld [tilespmem:s3+$0x71B0]  }
0x244: {  	v8 =	vld [tilespmem:s3+$0xF180]  }
0x245: {  	v24 =	vld [tilespmem:s3+$0xB110]  }
0x246: {  	v12 =	vld [tilespmem:s3+$0xF110]  }
0x247: {  	v21 =	vld [tilespmem:s3+$0x71A0]  }
0x248: {  	v22 =	vld [tilespmem:s3+$0xF120]  }
0x249: {  	v23 =	vld [tilespmem:s3+$0x7120]  }
0x24a: {  	v17 =	vld [tilespmem:s3+$0xF190]  }
0x24b: {  	v10 =	vld [tilespmem:s3+$0xF100]  }
0x24c: {  	v9 =	vld [tilespmem:s3+$0xB190];
	v21 =	vmul.f32 $1.562500000e-02, v21  }
0x24d: {  	v25 =	vld [tilespmem:s3+$0xB180];
	v14 =	vmul.f32 $1.562500000e-02, v14;
	v20 =	vmul.f32 $1.562500000e-02, v20  }
0x24e: {  	v26 =	vmul.f32 $1.562500000e-02, v23;
	v13 =	vmul.f32 $3.125000000e-02, v13;
	v23 =	vld [tilespmem:s3+$0x7190]  }
0x24f: {  	v16 =	vmul.f32 $3.125000000e-02, v16;
	v18 =	vadd.f32 v21, v18;
	v21 =	vld [tilespmem:s3+$0x7110];
	v27 =	vadd.f32 v14, v11  }
0x250: {  	v28 =	vmul.f32 $3.125000000e-02, v19;
	v19 =	vld [tilespmem:s3+$0x7100];
	v14 =	vadd.f32 v20, v15;
	v15 =	vadd.f32 v26, v22  }
0x251: {  	s2 =	simm.s32 $0x0;
	v20 =	vld [tilespmem:s3+$0xB100];
	v11 =	vadd.f32 v16, v18;
	v16 =	vadd.f32 v13, v27  }
0x252: {  	s30 =	simm.s32 $0x13200;
	s4 =	simm.s32 $0x400;
	s6 =	simm.s32 $0x13200;
	v22 =	vld [tilespmem:s3+$0x7180];
	v18 =	vmul.f32 $3.125000000e-02, v25;
	v13 =	vmul.f32 $3.125000000e-02, v24;
	v15 =	vadd.f32 v28, v15  }
.LBB2_22:
0x253: {  	p0 =	sne.s32 s4, $0xFC00  }
0x254: {  	v21 =	vmul.f32 $1.562500000e-02, v21;
	v24 =	vld [tilespmem:s3+$0xB1C0];
	s30 =	sadd.s32 $0x10, s30;
	s7 =	smov.u32 s4;
	s4 =	sadd.s32 $0x400, s4  }
0x255: {  	v6 =	vmul.f32 $3.125000000e-02, v6;
	v23 =	vmul.f32 $1.562500000e-02, v23;
	v25 =	vld [tilespmem:s3+$0x7150]  }
0x256: {  	v7 =	vmul.f32 $1.562500000e-02, v7;
	v20 =	vmul.f32 $3.125000000e-02, v20;
	v26 =	vld [tilespmem:s3+$0xB150]  }
0x257: {  	v5 =	vmul.f32 $1.562500000e-02, v5;
	v17 =	vadd.f32 v23, v17;
	v23 =	vld [tilespmem:s3+$0xF150]  }
0x258: {  	v2 =	vmul.f32 $3.125000000e-02, v2;
	v12 =	vadd.f32 v21, v12;
	v4 =	vadd.f32 v7, v4;
	v7 =	vld [tilespmem:s3+$0xB160]  }
0x259: {  	v3 =	vadd.f32 v5, v3;
	v21 =	vmul.f32 $1.562500000e-02, v22;
	v5 =	vmul.f32 $3.125000000e-02, v24;
	v22 =	vld [tilespmem:s3+$0xB1E0]  }
0x25a: {  	v2 =	vadd.f32 v2, v14;
	v19 =	vmul.f32 $1.562500000e-02, v19;
	v14 =	vmul.f32 $1.562500000e-02, v25;
	v24 =	vld [tilespmem:s3+$0x71D0]  }
0x25b: {  	v3 =	vadd.f32 v6, v3;
	v8 =	vadd.f32 v21, v8;
	v6 =	vmul.f32 $3.125000000e-02, v26;
	v21 =	vld [tilespmem:s3+$0xB1D0]  }
0x25c: {  	v2 =	vmul.f32 v2, v16;
	v10 =	vadd.f32 v19, v10;
	v14 =	vadd.f32 v14, v23;
	v16 =	vld [tilespmem:s3+$0xF1D0]  }
0x25d: {  	v11 =	vmul.f32 v11, v15;
	v4 =	vadd.f32 v5, v4;
	v8 =	vadd.f32 v18, v8;
	v5 =	vld [tilespmem:s3+$0x71E0]  }
0x25e: {  	v9 =	vmul.f32 $3.125000000e-02, v9;
	v10 =	vadd.f32 v20, v10;
	v6 =	vadd.f32 v6, v14;
	v14 =	vld [tilespmem:s3+$0x7160]  }
0x25f: {  	v12 =	vadd.f32 v13, v12;
	v3 =	vmul.f32 v4, v3;
	v4 =	vmul.f32 $1.562500000e-02, v24;
	v13 =	vld [tilespmem:s3+$0xF1E0]  }
0x260: {  	v9 =	vadd.f32 v9, v17;
	v8 =	vmul.f32 v8, v10;
	v10 =	vld [tilespmem:s3+$0xF160]  }
0x261: {  	v15 =	vmul.f32 $3.125000000e-02, v21;
	v4 =	vadd.f32 v4, v16;
	v16 =	vld [tilespmem:s3+$0xB170]  }
0x262: {  	v9 =	vmul.f32 v9, v12;
	v8 =	vadd.f32 $0.0e+00, v8;
	v5 =	vmul.f32 $1.562500000e-02, v5;
	v12 =	vld [tilespmem:s3+$0xB1F0]  }
0x263: {  	v4 =	vadd.f32 v15, v4;
	v14 =	vmul.f32 $1.562500000e-02, v14;
	v15 =	vld [tilespmem:s3+$0x71F0]  }
0x264: {  	v7 =	vmul.f32 $3.125000000e-02, v7;
	v5 =	vadd.f32 v5, v13;
	v13 =	vmul.f32 $3.125000000e-02, v22;
	v17 =	vld [tilespmem:s3+$0x7170]  }
0x265: {  	v8 =	vadd.f32 v9, v8;
	v4 =	vmul.f32 v4, v6;
	v6 =	vadd.f32 v14, v10;
	v9 =	vld [tilespmem:s3+$0xF1F0]  }
0x266: {  	v5 =	vadd.f32 v13, v5;
	v10 =	vld [tilespmem:s3+$0xF170]  }
0x267: {  	v8 =	vadd.f32 v11, v8;
	v6 =	vadd.f32 v7, v6  }
0x268: {  	v7 =	vmul.f32 $1.562500000e-02, v15  }
0x269: {  	v2 =	vadd.f32 v2, v8;
	v5 =	vmul.f32 v5, v6;
	v6 =	vmul.f32 $1.562500000e-02, v17  }
0x26a: {  	v8 =	vmul.f32 $3.125000000e-02, v12;
	v7 =	vadd.f32 v7, v9  }
0x26b: {  	v2 =	vadd.f32 v3, v2;
	v3 =	vadd.f32 v6, v10;
	v6 =	vmul.f32 $3.125000000e-02, v16  }
0x26c: {  	v7 =	vadd.f32 v8, v7  }
0x26d: {  	v2 =	vadd.f32 v4, v2;
	v3 =	vadd.f32 v6, v3;
	_ =	sdelay $0x1  }
0x26e: {  	v2 =	vadd.f32 v5, v2;
	v3 =	vmul.f32 v7, v3;
	_ =	sdelay $0x1  }
0x26f: {  	v2 =	vadd.f32 v3, v2;
	_ =	sdelay $0x1  }
0x270: {  	s3 =	sshra.s32 s7, $0x2;
	[tilespmem:s6+$0x0] =	vst v2;
	s6 =	smov.u32 s30  }
0x271: {  	v2 =	vld [tilespmem:s3+$0xB1B0]  }
0x272: {  	v5 =	vld [tilespmem:s3+$0x7140]  }
0x273: {  	v7 =	vld [tilespmem:s3+$0x71C0]  }
0x274: {  	v4 =	vld [tilespmem:s3+$0xF1C0]  }
0x275: {  	v6 =	vld [tilespmem:s3+$0xB140]  }
0x276: {  	v3 =	vld [tilespmem:s3+$0xF140]  }
0x277: {  	v11 =	vld [tilespmem:s3+$0xF130]  }
0x278: {  	v9 =	vld [tilespmem:s3+$0xB130]  }
0x279: {  	v13 =	vld [tilespmem:s3+$0x7130]  }
0x27a: {  	v10 =	vld [tilespmem:s3+$0xF1B0]  }
0x27b: {  	v15 =	vld [tilespmem:s3+$0xB1A0]  }
0x27c: {  	v16 =	vld [tilespmem:s3+$0xF1A0]  }
0x27d: {  	v14 =	vld [tilespmem:s3+$0xB120]  }
0x27e: {  	v17 =	vld [tilespmem:s3+$0x71B0]  }
0x27f: {  	v8 =	vld [tilespmem:s3+$0xF180]  }
0x280: {  	v24 =	vld [tilespmem:s3+$0xB110]  }
0x281: {  	v12 =	vld [tilespmem:s3+$0xF110]  }
0x282: {  	v18 =	vld [tilespmem:s3+$0x71A0]  }
0x283: {  	v19 =	vld [tilespmem:s3+$0xF120];
	v20 =	vmul.f32 $1.562500000e-02, v17  }
0x284: {  	v25 =	vmul.f32 $3.125000000e-02, v14;
	v22 =	vld [tilespmem:s3+$0x7120]  }
0x285: {  	v26 =	vmul.f32 $3.125000000e-02, v9;
	v17 =	vld [tilespmem:s3+$0xF190];
	v14 =	vadd.f32 v20, v10  }
0x286: {  	v10 =	vld [tilespmem:s3+$0xF100]  }
0x287: {  	v15 =	vmul.f32 $3.125000000e-02, v15;
	v9 =	vld [tilespmem:s3+$0xB190];
	v18 =	vmul.f32 $1.562500000e-02, v18  }
0x288: {  	v13 =	vmul.f32 $1.562500000e-02, v13;
	v27 =	vld [tilespmem:s3+$0xB180]  }
.Ltmp10:
0x289: {  	v21 =	vld [tilespmem:s3+$0x7110];
	v22 =	vmul.f32 $1.562500000e-02, v22;
	v16 =	vadd.f32 v18, v16;
	(pc) =	sbr.rel @p0 .LBB2_22-.Ltmp10, $4  }
0x28a: {  	v13 =	vadd.f32 v13, v11;
	v23 =	vld [tilespmem:s3+$0x7190]  }
0x28b: {  	v20 =	vld [tilespmem:s3+$0xB100];
	v28 =	vadd.f32 v22, v19;
	v11 =	vadd.f32 v15, v16  }
0x28c: {  	v16 =	vadd.f32 v26, v13;
	v19 =	vld [tilespmem:s3+$0x7100]  }
0x28d: {  	v13 =	vmul.f32 $3.125000000e-02, v24;
	v22 =	vld [tilespmem:s3+$0x7180];
	v18 =	vmul.f32 $3.125000000e-02, v27;
	v15 =	vadd.f32 v25, v28  }
0x28e: {  	v24 =	vld [tilespmem:s3+$0xB1C0]  }
0x28f: {  	v25 =	vld [tilespmem:s3+$0x7150]  }
0x290: {  	v26 =	vld [tilespmem:s3+$0xB150]  }
0x291: {  	v27 =	vld [tilespmem:s3+$0xF150]  }
0x292: {  	v21 =	vmul.f32 $1.562500000e-02, v21;
	v28 =	vld [tilespmem:s3+$0xB160];
	v7 =	vmul.f32 $1.562500000e-02, v7  }
0x293: {  	v45 =	vld [tilespmem:s3+$0xB1E0];
	v5 =	vmul.f32 $1.562500000e-02, v5;
	v2 =	vmul.f32 $3.125000000e-02, v2  }
0x294: {  	v47 =	vld [tilespmem:s3+$0x71D0];
	v6 =	vmul.f32 $3.125000000e-02, v6;
	v9 =	vmul.f32 $3.125000000e-02, v9;
	v12 =	vadd.f32 v21, v12  }
0x295: {  	v48 =	vld [tilespmem:s3+$0xB1D0];
	v4 =	vadd.f32 v7, v4;
	v7 =	vmul.f32 $1.562500000e-02, v19;
	v46 =	vmul.f32 $1.562500000e-02, v22  }
0x296: {  	v51 =	vld [tilespmem:s3+$0x7160];
	v23 =	vmul.f32 $1.562500000e-02, v23;
	v3 =	vadd.f32 v5, v3;
	v2 =	vadd.f32 v2, v14  }
0x297: {  	v53 =	vld [tilespmem:s3+$0xF1E0];
	v49 =	vmul.f32 $3.125000000e-02, v20;
	v7 =	vadd.f32 v7, v10;
	v5 =	vadd.f32 v46, v8  }
0x298: {  	v54 =	vld [tilespmem:s3+$0xF160];
	v11 =	vmul.f32 v11, v15;
	v17 =	vadd.f32 v23, v17;
	v3 =	vadd.f32 v6, v3  }
0x299: {  	v2 =	vmul.f32 v2, v16;
	v8 =	vld [tilespmem:s3+$0xF1D0];
	v7 =	vadd.f32 v49, v7;
	v5 =	vadd.f32 v18, v5  }
0x29a: {  	v12 =	vadd.f32 v13, v12;
	v10 =	vld [tilespmem:s3+$0x71E0];
	v50 =	vmul.f32 $3.125000000e-02, v24;
	v52 =	vmul.f32 $1.562500000e-02, v25  }
0x29b: {  	v57 =	vld [tilespmem:s3+$0xB1F0];
	v6 =	vmul.f32 $3.125000000e-02, v26;
	v5 =	vmul.f32 v5, v7;
	v7 =	vadd.f32 v9, v17  }
0x29c: {  	v58 =	vld [tilespmem:s3+$0x71F0];
	v56 =	vmul.f32 $1.562500000e-02, v47;
	v59 =	vmul.f32 $3.125000000e-02, v48  }
0x29d: {  	v60 =	vld [tilespmem:s3+$0x7170];
	v4 =	vadd.f32 v50, v4;
	v5 =	vadd.f32 $0.0e+00, v5;
	v7 =	vmul.f32 v7, v12  }
0x29e: {  	v62 =	vld [tilespmem:s3+$0xF170];
	v61 =	vmul.f32 $3.125000000e-02, v28;
	v55 =	vadd.f32 v52, v27;
	v8 =	vadd.f32 v56, v8  }
0x29f: {  	v3 =	vmul.f32 v4, v3;
	v4 =	vmul.f32 $1.562500000e-02, v10;
	v5 =	vadd.f32 v7, v5;
	v7 =	vld [tilespmem:s3+$0xF1F0]  }
0x2a0: {  	v6 =	vadd.f32 v6, v55;
	v9 =	vld [tilespmem:s3+$0xB170];
	v10 =	vmul.f32 $1.562500000e-02, v51;
	v8 =	vadd.f32 v59, v8  }
0x2a1: {  	v63 =	vmul.f32 $3.125000000e-02, v45;
	v4 =	vadd.f32 v4, v53;
	v5 =	vadd.f32 v11, v5  }
0x2a2: {  	v6 =	vmul.f32 v8, v6;
	v8 =	vadd.f32 v10, v54;
	v10 =	vmul.f32 $1.562500000e-02, v58  }
0x2a3: {  	v4 =	vadd.f32 v63, v4;
	v2 =	vadd.f32 v2, v5;
	v5 =	vmul.f32 $1.562500000e-02, v60  }
0x2a4: {  	v8 =	vadd.f32 v61, v8;
	v7 =	vadd.f32 v10, v7;
	v10 =	vmul.f32 $3.125000000e-02, v57  }
0x2a5: {  	v2 =	vadd.f32 v3, v2;
	v3 =	vadd.f32 v5, v62;
	v5 =	vmul.f32 $3.125000000e-02, v9  }
0x2a6: {  	v4 =	vmul.f32 v4, v8;
	v7 =	vadd.f32 v10, v7  }
0x2a7: {  	v2 =	vadd.f32 v6, v2;
	v3 =	vadd.f32 v5, v3;
	v5 =	vmov s2  }
0x2a8: {  	v5 =	vshll.u32 v5, $0x4  }
0x2a9: {  	v2 =	vadd.f32 v4, v2;
	v3 =	vmul.f32 v7, v3;
	v4 =	vor.u32 v0, v5;
	_ =	sdelay $0x1  }
0x2aa: {  	v2 =	vadd.f32 v3, v2;
	v3 =	vor.u32 $0x1, v4;
	_ =	sdelay $0x1  }
0x2ab: {  	[tilespmem:s6+$0x0] =	vst v2;
	v2 =	vor.u32 $0x2, v4  }
0x2ac: {  	v5 =	vld.idx.msk [tilespmem:v4+s29+$0x0], $0xffff  }
0x2ad: {  	v6 =	vor.u32 $0x3, v4  }
0x2ae: {  	v3 =	vld.idx.msk [tilespmem:v3+s29+$0x0], $0xffff  }
0x2af: {  	v7 =	vor.u32 $0x4, v4  }
0x2b0: {  	v2 =	vld.idx.msk [tilespmem:v2+s29+$0x0], $0xffff  }
0x2b1: {  	v8 =	vor.u32 $0x5, v4;
	v5 =	vadd.f32 $0.0e+00, v5  }
0x2b2: {  	v6 =	vld.idx.msk [tilespmem:v6+s29+$0x0], $0xffff  }
0x2b3: {  	v9 =	vor.u32 $0x6, v4;
	v3 =	vadd.f32 v3, v5  }
0x2b4: {  	v5 =	vld.idx.msk [tilespmem:v7+s29+$0x0], $0xffff  }
0x2b5: {  	v7 =	vor.u32 $0x7, v4;
	v2 =	vadd.f32 v2, v3  }
0x2b6: {  	v3 =	vld.idx.msk [tilespmem:v8+s29+$0x0], $0xffff  }
0x2b7: {  	v8 =	vor.u32 $0x8, v4;
	v2 =	vadd.f32 v6, v2  }
0x2b8: {  	v6 =	vld.idx.msk [tilespmem:v9+s29+$0x0], $0xffff  }
0x2b9: {  	v9 =	vor.u32 $0x9, v4;
	v2 =	vadd.f32 v5, v2  }
0x2ba: {  	v5 =	vld.idx.msk [tilespmem:v7+s29+$0x0], $0xffff  }
0x2bb: {  	v7 =	vor.u32 $0xA, v4;
	v2 =	vadd.f32 v3, v2  }
0x2bc: {  	v3 =	vld.idx.msk [tilespmem:v8+s29+$0x0], $0xffff  }
0x2bd: {  	v8 =	vor.u32 $0xB, v4;
	v2 =	vadd.f32 v6, v2  }
0x2be: {  	v6 =	vld.idx.msk [tilespmem:v9+s29+$0x0], $0xffff  }
0x2bf: {  	v9 =	vor.u32 $0xC, v4;
	v2 =	vadd.f32 v5, v2  }
0x2c0: {  	v5 =	vld.idx.msk [tilespmem:v7+s29+$0x0], $0xffff  }
0x2c1: {  	v7 =	vor.u32 $0xD, v4;
	v2 =	vadd.f32 v3, v2  }
0x2c2: {  	v3 =	vld.idx.msk [tilespmem:v8+s29+$0x0], $0xffff  }
0x2c3: {  	v8 =	vor.u32 $0xE, v4;
	v2 =	vadd.f32 v6, v2  }
0x2c4: {  	v6 =	vld.idx.msk [tilespmem:v9+s29+$0x0], $0xffff  }
0x2c5: {  	v2 =	vadd.f32 v5, v2  }
0x2c6: {  	v4 =	vor.u32 $0xF, v4;
	v5 =	vld.idx.msk [tilespmem:v7+s29+$0x0], $0xffff  }
0x2c7: {  	v2 =	vadd.f32 v3, v2  }
0x2c8: {  	v3 =	vld.idx.msk [tilespmem:v8+s29+$0x0], $0xffff  }
0x2c9: {  	v2 =	vadd.f32 v6, v2  }
0x2ca: {  	s30 =	simm.s32 $0x10  }
0x2cb: {  	v4 =	vld.idx.msk [tilespmem:v4+s29+$0x0], $0xffff;
	v6 =	vmov s30;
	v5 =	vadd.f32 v5, v2  }
0x2cc: {  	v2 =	vshll.u32 v6, $0x4  }
0x2cd: {  	v2 =	vor.u32 v0, v2;
	v3 =	vadd.f32 v3, v5  }
0x2ce: {  	v10 =	vor.u32 $0x1, v2;
	v9 =	vor.u32 $0x2, v2;
	v8 =	vor.u32 $0x3, v2  }
0x2cf: {  	v7 =	vor.u32 $0x4, v2;
	v5 =	vor.u32 $0x5, v2;
	v6 =	vor.u32 $0x6, v2  }
0x2d0: {  	s3 =	simm.s32 $0x20;
	s2 =	simm.s32 $0x13640;
	v11 =	vadd.f32 v4, v3;
	v4 =	vor.u32 $0x7, v2;
	v3 =	vor.u32 $0x8, v2  }
.LBB2_24:
0x2d1: {  	p0 =	sne.s32 s3, $0x30  }
0x2d2: {  	v12 =	vor.u32 $0x9, v2;
	v13 =	vor.u32 $0xA, v2;
	v14 =	vor.u32 $0xB, v2;
	[tilespmem:s2+$0x0] =	vst v11;
	s2 =	sadd.s32 $0x10, s2;
	s4 =	smov.u32 s3;
	s3 =	sadd.s32 $0x10, s3  }
0x2d3: {  	v15 =	vor.u32 $0xC, v2;
	v16 =	vor.u32 $0xD, v2;
	v17 =	vor.u32 $0xE, v2;
	v11 =	vld.idx.msk [tilespmem:v2+s29+$0x0], $0xffff  }
0x2d4: {  	v2 =	vor.u32 $0xF, v2  }
0x2d5: {  	v10 =	vld.idx.msk [tilespmem:v10+s29+$0x0], $0xffff;
	_ =	sdelay $0x1  }
0x2d6: {  	v9 =	vld.idx.msk [tilespmem:v9+s29+$0x0], $0xffff;
	_ =	sdelay $0x1  }
0x2d7: {  	v11 =	vadd.f32 $0.0e+00, v11;
	v8 =	vld.idx.msk [tilespmem:v8+s29+$0x0], $0xffff;
	_ =	sdelay $0x1  }
0x2d8: {  	v10 =	vadd.f32 v10, v11;
	v7 =	vld.idx.msk [tilespmem:v7+s29+$0x0], $0xffff;
	_ =	sdelay $0x1  }
0x2d9: {  	v9 =	vadd.f32 v9, v10;
	v5 =	vld.idx.msk [tilespmem:v5+s29+$0x0], $0xffff;
	_ =	sdelay $0x1  }
0x2da: {  	v8 =	vadd.f32 v8, v9;
	v6 =	vld.idx.msk [tilespmem:v6+s29+$0x0], $0xffff;
	_ =	sdelay $0x1  }
0x2db: {  	v7 =	vadd.f32 v7, v8;
	v4 =	vld.idx.msk [tilespmem:v4+s29+$0x0], $0xffff;
	_ =	sdelay $0x1  }
0x2dc: {  	v5 =	vadd.f32 v5, v7;
	v3 =	vld.idx.msk [tilespmem:v3+s29+$0x0], $0xffff;
	_ =	sdelay $0x1  }
0x2dd: {  	v5 =	vadd.f32 v6, v5;
	v6 =	vld.idx.msk [tilespmem:v12+s29+$0x0], $0xffff;
	_ =	sdelay $0x1  }
0x2de: {  	v4 =	vadd.f32 v4, v5;
	v5 =	vld.idx.msk [tilespmem:v13+s29+$0x0], $0xffff;
	_ =	sdelay $0x1  }
0x2df: {  	v3 =	vadd.f32 v3, v4;
	v4 =	vld.idx.msk [tilespmem:v14+s29+$0x0], $0xffff;
	_ =	sdelay $0x1  }
0x2e0: {  	v3 =	vadd.f32 v6, v3;
	v6 =	vld.idx.msk [tilespmem:v15+s29+$0x0], $0xffff;
	_ =	sdelay $0x1  }
0x2e1: {  	v3 =	vadd.f32 v5, v3;
	v5 =	vld.idx.msk [tilespmem:v16+s29+$0x0], $0xffff;
	_ =	sdelay $0x1  }
0x2e2: {  	v3 =	vadd.f32 v4, v3;
	v4 =	vld.idx.msk [tilespmem:v17+s29+$0x0], $0xffff;
	_ =	sdelay $0x1  }
0x2e3: {  	v3 =	vadd.f32 v6, v3;
	v6 =	vld.idx.msk [tilespmem:v2+s29+$0x0], $0xffff;
	_ =	sdelay $0x1  }
0x2e4: {  	v2 =	vmov s4;
	v3 =	vadd.f32 v5, v3  }
.Ltmp11:
0x2e5: {  	v2 =	vshll.u32 v2, $0x4;
	(pc) =	sbr.rel @p0 .LBB2_24-.Ltmp11, $4  }
0x2e6: {  	v2 =	vor.u32 v0, v2;
	v3 =	vadd.f32 v4, v3  }
0x2e7: {  	v10 =	vor.u32 $0x1, v2;
	v9 =	vor.u32 $0x2, v2;
	v8 =	vor.u32 $0x3, v2  }
0x2e8: {  	v7 =	vor.u32 $0x4, v2;
	v5 =	vor.u32 $0x5, v2;
	v11 =	vadd.f32 v6, v3  }
0x2e9: {  	v4 =	vor.u32 $0x7, v2;
	v6 =	vor.u32 $0x6, v2;
	v3 =	vor.u32 $0x8, v2  }
0x2ea: {  	_ =	sdelay $0x2  }
0x2eb: {  	[tilespmem:s2+$0x0] =	vst v11  }
0x2ec: {  	v11 =	vld.idx.msk [tilespmem:v2+s29+$0x0], $0xffff;
	_ =	sdelay $0x1  }
0x2ed: {  	v10 =	vld.idx.msk [tilespmem:v10+s29+$0x0], $0xffff;
	_ =	sdelay $0x1  }
0x2ee: {  	v9 =	vld.idx.msk [tilespmem:v9+s29+$0x0], $0xffff  }
0x2ef: {  	v11 =	vadd.f32 $0.0e+00, v11  }
0x2f0: {  	v8 =	vld.idx.msk [tilespmem:v8+s29+$0x0], $0xffff  }
0x2f1: {  	v10 =	vadd.f32 v10, v11  }
0x2f2: {  	v7 =	vld.idx.msk [tilespmem:v7+s29+$0x0], $0xffff  }
0x2f3: {  	v9 =	vadd.f32 v9, v10  }
0x2f4: {  	v5 =	vld.idx.msk [tilespmem:v5+s29+$0x0], $0xffff  }
0x2f5: {  	v8 =	vadd.f32 v8, v9  }
0x2f6: {  	v6 =	vld.idx.msk [tilespmem:v6+s29+$0x0], $0xffff  }
0x2f7: {  	v60 =	vor.u32 $0x9, v2;
	v7 =	vadd.f32 v7, v8  }
0x2f8: {  	v4 =	vld.idx.msk [tilespmem:v4+s29+$0x0], $0xffff  }
0x2f9: {  	v61 =	vor.u32 $0xA, v2;
	v5 =	vadd.f32 v5, v7  }
0x2fa: {  	v3 =	vld.idx.msk [tilespmem:v3+s29+$0x0], $0xffff  }
0x2fb: {  	v7 =	vor.u32 $0xB, v2;
	v5 =	vadd.f32 v6, v5  }
0x2fc: {  	v6 =	vld.idx.msk [tilespmem:v60+s29+$0x0], $0xffff  }
0x2fd: {  	v62 =	vor.u32 $0xC, v2;
	v4 =	vadd.f32 v4, v5  }
0x2fe: {  	v5 =	vld.idx.msk [tilespmem:v61+s29+$0x0], $0xffff  }
0x2ff: {  	v63 =	vor.u32 $0xD, v2;
	v3 =	vadd.f32 v3, v4  }
0x300: {  	v4 =	vld.idx.msk [tilespmem:v7+s29+$0x0], $0xffff  }
0x301: {  	v7 =	vor.u32 $0xE, v2;
	v3 =	vadd.f32 v6, v3  }
0x302: {  	v6 =	vld.idx.msk [tilespmem:v62+s29+$0x0], $0xffff  }
0x303: {  	v2 =	vor.u32 $0xF, v2;
	v3 =	vadd.f32 v5, v3  }
0x304: {  	v5 =	vld.idx.msk [tilespmem:v63+s29+$0x0], $0xffff  }
0x305: {  	v3 =	vadd.f32 v4, v3  }
0x306: {  	v4 =	vld.idx.msk [tilespmem:v7+s29+$0x0], $0xffff  }
0x307: {  	s3 =	simm.s32 $0x0;
	v3 =	vadd.f32 v6, v3  }
0x308: {  	v2 =	vld.idx.msk [tilespmem:v2+s29+$0x0], $0xffff;
	v6 =	vmov s3  }
0x309: {  	v3 =	vadd.f32 v5, v3;
	v5 =	vshll.u32 v6, $0x1  }
0x30a: {  	v5 =	vor.u32 v1, v5  }
0x30b: {  	v3 =	vadd.f32 v4, v3;
	v4 =	vor.u32 $0x1, v5;
	_ =	sdelay $0x1  }
0x30c: {  	v2 =	vadd.f32 v2, v3  }
0x30d: {  	s7 =	sadd.s32 $0x10, s2  }
0x30e: {  	[tilespmem:s7+$0x0] =	vst v2  }
0x30f: {  	s2 =	simm.s32 $0x13600;
	s30 =	simm.s32 $0x10;
	v2 =	vld.idx.msk [tilespmem:v4+s14+$0x0], $0xffff  }
0x310: {  	s3 =	simm.s32 $0x20;
	v4 =	vmov s30;
	v3 =	vld [tilespmem:s2+$0x0]  }
.LBB2_26:
0x311: {  	p0 =	sne.s32 s3, $0x70;
	v4 =	vshll.u32 v4, $0x1  }
0x312: {  	v4 =	vor.u32 v1, v4  }
0x313: {  	v4 =	vor.u32 $0x1, v4;
	_ =	sdelay $0x1  }
.Ltmp12:
0x314: {  	v2 =	vadd.f32 v3, v2;
	(pc) =	sbr.rel @p0 .LBB2_26-.Ltmp12, $4  }
0x315: {  	_ = 	snop  }
0x316: {  	[tilespmem:s2+$0x0] =	vst v2  }
0x317: {  	s2 =	sadd.s32 $0x10, s2;
	v2 =	vld.idx.msk [tilespmem:v4+s14+$0x0], $0xffff  }
0x318: {  	v4 =	vmov s3;
	s3 =	sadd.s32 $0x10, s3;
	v3 =	vld [tilespmem:s2+$0x0]  }
0x319: {  	v4 =	vshll.u32 v4, $0x1  }
0x31a: {  	v4 =	vor.u32 v1, v4  }
0x31b: {  	v4 =	vor.u32 $0x1, v4;
	_ =	sdelay $0x1  }
0x31c: {  	v2 =	vadd.f32 v3, v2;
	_ =	sdelay $0x1  }
0x31d: {  	[tilespmem:s2+$0x0] =	vst v2  }
0x31e: {  	s7 =	sadd.s32 $0x10, s2;
	v2 =	vld.idx.msk [tilespmem:v4+s14+$0x0], $0xffff  }
0x31f: {  	v3 =	vld [tilespmem:s7+$0x0];
	_ =	sdelay $0x4  }
0x320: {  	s31 =	sadd.s32 $0x1, s31;
	v2 =	vadd.f32 v3, v2  }
0x321: {  	p0 =	sne.s32 s31, s11  }
.Ltmp13:
0x322: {  	s30 =	simm.s32 $0x13600;
	[tilespmem:s7+$0x0] =	vst v2;
	(pc) =	sbr.rel @p0 .LBB2_1-.Ltmp13, $4  }
0x323: {  	[hbm4b:s10+s8] =	stream.linear.scatter [tilespmem:s30], [sflag:$0x3], $0x80, $0x38;
	[tilespmem:$0x13680] =	vst v63  }
0x324: {  	_ =	swait.ge [sflag:s12], $0x80  }
0x325: {  	[sflag:s12] =	ssyncset.done $0x0  }
0x326: {  	[sflag:s12] =	ssyncadd.s32 $0xFFFFFF80  }
0x327: {  	_ =	sfence.sel $0x180000  }
0x328: {  	[bflag:$0x0] =	sbarrier.arrive $0xFFFF  }
0x329: {  	_ =	strace $0x90000047  }
0x32a: {  	s0 =	stileid.u32;
	[bflag:$0x2] =	sbarrier.arrive $0xFFFF  }
0x32b: {  	p0 =	sne.s32 s0, $0x0;
	s0 =	rddreg [dreg:$0x8]  }
0x32c: {  	s0 =	sadd.s32 @!p0 $0x100000, s0  }
0x32d: {  	[sflag:s0] =	ssyncadd.tile.s32 @!p0 $0x1;
	_ =	shalt  }
.Lfunc_end2:
_tile_overlayer_lowered:
.L_overlay_start_2:
0x32e: {  	(tag) =	ssettag $0x2  }
0x32f: {  	s0 =	rddreg [dreg:$0x0];
	s2 =	stileid.u32  }
0x330: {  	s1 =	rddreg [dreg:$0x1];
	p0 =	sne.s32 s2, $0x0  }
0x331: {  	s3 =	rddreg [dreg:$0x2];
	[bflag:$0x3] =	sbarrier.arrive $0xFFFF;
	s2 =	simm.s32 @!p0 $0x1C03  }
0x332: {  	[timem:s3], [sflag:s2] =	dma.local @!p0 [hbm:s0], s1  }
0x333: {  	s0 =	simm.s32 @!p0 $0x3  }
0x334: {  	_ =	swait.ge @!p0 [sflag:s0], s1  }
0x335: {  	s1 =	ssub.s32 @!p0 $0x0, s1;
	[sflag:s0] =	ssyncset.done @!p0 $0x0  }
0x336: {  	[sflag:s0] =	ssyncadd.s32 @!p0 s1  }
0x337: {  	[bflag:$0x3] =	sbarrier.arrive $0xFFFF  }
0x338: {  	_ =	shalt  }

</sc_bundles>
